<compile_context>
chip_gen: v7x
topology: tpu7x:2x2x1
jax: 0.10.2.dev20260603
libtpu: 0.0.44.dev20260713+nightly
codegen_flags: <defaults>
</compile_context>

<pallas_src>
import functools

import jax
import jax.numpy as jnp
import numpy as np
from jax import lax
from jax.experimental import pallas as pl
from jax.experimental.pallas import tpu as pltpu
from jax.experimental.pallas import tpu_sc as plsc

RADIUS = 0.2
NSAMPLE = 32
POS_DIM = 24
EPS = 1e-5

N_PTS = 8192
S_CTR = 1024
SBLK = 256
CHUNK = 256
D_PACK = 128
GCHUNK = 512
RBLK = 1024


def _ballq_body(ct_ref, xyzt_ref, idx_ref, gidx_ref, cnt_scr, slots_scr):
    b = pl.program_id(0)
    n = N_PTS
    cnt_scr[...] = jnp.zeros((SBLK, 1), jnp.float32)
    slots_scr[...] = jnp.full((SBLK, NSAMPLE), float(n), jnp.float32)

    ct = ct_ref[0]
    cx = ct[:, 0:1]
    cy = ct[:, 1:2]
    cz = ct[:, 2:3]
    c2 = cx * cx + cy * cy + cz * cz

    ri = lax.broadcasted_iota(jnp.int32, (CHUNK, CHUNK), 0)
    ci = lax.broadcasted_iota(jnp.int32, (CHUNK, CHUNK), 1)
    tri = (ri <= ci).astype(jnp.float32)

    r2 = jnp.float32(RADIUS ** 2)

    def body(c, carry):
        xx = xyzt_ref[0, 0:1, pl.ds(c * CHUNK, CHUNK)]
        xy = xyzt_ref[0, 1:2, pl.ds(c * CHUNK, CHUNK)]
        xz = xyzt_ref[0, 2:3, pl.ds(c * CHUNK, CHUNK)]
        x2 = xx * xx + xy * xy + xz * xz
        rb = lambda v: v.astype(jnp.bfloat16).astype(jnp.float32)
        dot = rb(cx) * rb(xx) + rb(cy) * rb(xy) + rb(cz) * rb(xz)
        d = (-2.0 * dot + c2) + x2
        mask = d <= r2
        maskf = mask.astype(jnp.float32)

        @pl.when(jnp.min(cnt_scr[...]) < float(NSAMPLE))
        def _():
            incl = jax.lax.dot(maskf, tri,
                               preferred_element_type=jnp.float32)
            rank = cnt_scr[...] + incl - maskf
            rmask = jnp.where(mask, rank, -1.0)
            idxrow = jnp.float32(c * CHUNK) + lax.broadcasted_iota(
                jnp.int32, (SBLK, CHUNK), 1).astype(jnp.float32)
            for k in range(NSAMPLE):
                cand = jnp.where(rmask == float(k), idxrow, float(n))
                m = jnp.min(cand, axis=1, keepdims=True)
                slots_scr[:, k:k + 1] = jnp.minimum(slots_scr[:, k:k + 1], m)
            cnt_scr[...] = cnt_scr[...] + jnp.sum(maskf, axis=1,
                                                  keepdims=True)
        return carry

    lax.fori_loop(0, n // CHUNK, body, 0)

    slots = slots_scr[...]
    first = slots[:, 0:1]
    idx = jnp.where(slots == float(n), jnp.broadcast_to(first, slots.shape),
                    slots)
    idx_ref[0] = idx.astype(jnp.int32)
    gidx_ref[0] = (jnp.minimum(idx, float(n - 1))
                   + jnp.float32(n) * b.astype(jnp.float32)).astype(jnp.int32)


def _ball_query(patch_center, xyzt):
    B = patch_center.shape[0]
    grid = (B, S_CTR // SBLK)
    return pl.pallas_call(
        _ballq_body,
        grid=grid,
        in_specs=[
            pl.BlockSpec((1, SBLK, 3), lambda b, s: (b, s, 0)),
            pl.BlockSpec((1, 3, N_PTS), lambda b, s: (b, 0, 0)),
        ],
        out_specs=[
            pl.BlockSpec((1, SBLK, NSAMPLE), lambda b, s: (b, s, 0)),
            pl.BlockSpec((1, SBLK, NSAMPLE), lambda b, s: (b, s, 0)),
        ],
        out_shape=[
            jax.ShapeDtypeStruct((B, S_CTR, NSAMPLE), jnp.int32),
            jax.ShapeDtypeStruct((B, S_CTR, NSAMPLE), jnp.int32),
        ],
        scratch_shapes=[
            pltpu.VMEM((SBLK, 1), jnp.float32),
            pltpu.VMEM((SBLK, NSAMPLE), jnp.float32),
        ],
    )(patch_center, xyzt)


def _sc_gather(table, flat_idx):
    rows = flat_idx.shape[0]
    mesh = plsc.VectorSubcoreMesh(core_axis_name="c", subcore_axis_name="s")
    nw = 32
    per_w = rows // nw
    n_chunks = per_w // GCHUNK

    @functools.partial(
        pl.kernel,
        mesh=mesh,
        out_type=jax.ShapeDtypeStruct((rows, D_PACK), jnp.float32),
        scratch_types=[
            pltpu.VMEM((GCHUNK,), jnp.int32),
            pltpu.VMEM((GCHUNK, D_PACK), jnp.float32),
            pltpu.SemaphoreType.DMA,
        ],
    )
    def gather_k(table_hbm, idx_hbm, out_hbm, idx_v, rows_v, sem):
        wid = lax.axis_index("s") * 2 + lax.axis_index("c")
        base = wid * per_w

        def body(i, carry):
            off = base + i * GCHUNK
            pltpu.sync_copy(idx_hbm.at[pl.ds(off, GCHUNK)], idx_v)
            pltpu.async_copy(table_hbm.at[idx_v], rows_v, sem).wait()
            pltpu.sync_copy(rows_v, out_hbm.at[pl.ds(off, GCHUNK)])
            return carry

        lax.fori_loop(0, n_chunks, body, 0)

    return gather_k(table, flat_idx)


def _mlp_body(g_ref, cb_ref, w1f_ref, w1x_ref, w1p_ref, b1_ref, g1_ref,
              be1_ref, w2_ref, b2_ref, g2_ref, be2_ref, out_ref):
    g = g_ref[...]
    c = cb_ref[...]
    rel = g[:, 0:3] - c
    feat = g[:, 3:67]

    nf = POS_DIM // 6
    pow2 = jnp.left_shift(jnp.int32(1),
                          lax.broadcasted_iota(jnp.int32, (1, nf), 1))
    freqs = pow2.astype(jnp.float32) * jnp.float32(np.pi)
    halfpi = jnp.float32(np.pi / 2.0)
    phases = []
    for ci in range(3):
        sc = rel[:, ci:ci + 1] * freqs
        phases.append(sc)
        phases.append(sc + halfpi)
    ph = jnp.concatenate(phases, axis=1)
    q = jnp.floor(ph * jnp.float32(1.0 / np.pi) + 0.5)
    r = (ph - q * jnp.float32(3.140625)) - q * jnp.float32(9.67653589793e-4)
    parity = q - 2.0 * jnp.floor(q * 0.5)
    sgn = 1.0 - 2.0 * parity
    r2 = r * r
    p = jnp.float32(2.7557319e-6)
    p = p * r2 + jnp.float32(-1.9841270e-4)
    p = p * r2 + jnp.float32(8.3333333e-3)
    p = p * r2 + jnp.float32(-1.6666667e-1)
    p = p * r2 * r + r
    pos = sgn * p

    h = (jax.lax.dot(feat, w1f_ref[...], preferred_element_type=jnp.float32)
         + jax.lax.dot(rel, w1x_ref[...], preferred_element_type=jnp.float32)
         + jax.lax.dot(pos, w1p_ref[...], preferred_element_type=jnp.float32)
         + b1_ref[...])
    mu = jnp.mean(h, axis=1, keepdims=True)
    dlt = h - mu
    var = jnp.mean(dlt * dlt, axis=1, keepdims=True)
    h = dlt / jnp.sqrt(var + EPS) * g1_ref[...] + be1_ref[...]
    y = jnp.float32(np.sqrt(2.0 / np.pi)) * (
        h + jnp.float32(0.044715) * (h * h * h))
    a = jnp.exp(-2.0 * jnp.abs(y))
    t = (1.0 - a) / (1.0 + a)
    t = jnp.where(y < 0.0, -t, t)
    h = 0.5 * h * (1.0 + t)

    h = jax.lax.dot(h, w2_ref[...],
                    preferred_element_type=jnp.float32) + b2_ref[...]
    mu = jnp.mean(h, axis=1, keepdims=True)
    dlt = h - mu
    var = jnp.mean(dlt * dlt, axis=1, keepdims=True)
    h = dlt / jnp.sqrt(var + EPS) * g2_ref[...] + be2_ref[...]

    hr = h.reshape(RBLK // NSAMPLE, NSAMPLE, 128)
    out_ref[...] = jnp.max(hr, axis=1)


def _mlp_pool(G, CB, W1f, W1x, W1p, b1, g1, be1, W2, b2, g2, be2):
    rows = G.shape[0]
    grid = (rows // RBLK,)
    rep2 = lambda shape: pl.BlockSpec(shape, lambda i: (0, 0))
    return pl.pallas_call(
        _mlp_body,
        grid=grid,
        in_specs=[
            pl.BlockSpec((RBLK, D_PACK), lambda i: (i, 0)),
            pl.BlockSpec((RBLK, 3), lambda i: (i, 0)),
            rep2((64, 128)), rep2((3, 128)), rep2((24, 128)),
            rep2((1, 128)), rep2((1, 128)), rep2((1, 128)),
            rep2((128, 128)), rep2((1, 128)), rep2((1, 128)),
            rep2((1, 128)),
        ],
        out_specs=pl.BlockSpec((RBLK // NSAMPLE, 128), lambda i: (i, 0)),
        out_shape=jax.ShapeDtypeStruct((rows // NSAMPLE, 128), jnp.float32),
    )(G, CB, W1f, W1x, W1p, b1, g1, be1, W2, b2, g2, be2)


def kernel(xyz, point_feature, patch_center, W1, b1, g1, be1, W2, b2, g2,
           be2):
    B, N, _ = xyz.shape
    S = patch_center.shape[1]
    stem = point_feature.shape[-1]

    xyzt = jnp.transpose(xyz, (0, 2, 1))
    neighbor_idx, gidx = _ball_query(patch_center, xyzt)

    pad = D_PACK - 3 - stem
    table = jnp.concatenate(
        [xyz, point_feature,
         jnp.zeros((B, N, pad), jnp.float32)], axis=-1).reshape(B * N, D_PACK)
    G = _sc_gather(table, gidx.reshape(-1))

    CB = jnp.broadcast_to(patch_center[:, :, None, :],
                          (B, S, NSAMPLE, 3)).reshape(-1, 3)

    W1f = W1[0:stem]
    W1x = W1[stem:stem + 3]
    W1p = W1[stem + 3:]
    r1 = lambda v: v.reshape(1, -1)
    pf = _mlp_pool(G, CB, W1f, W1x, W1p, r1(b1), r1(g1), r1(be1), W2,
                   r1(b2), r1(g2), r1(be2))
    return pf.reshape(B, S, 128), neighbor_idx

# --- scband reference (transcript-rebuilt; emitter-appended) ---
"""Pipeline reference for scband-local-patch-encoder-11407433138451 (READ-ONLY COPY).

The authoritative reference and input builder live on the scoring server;
editing this copy changes nothing except your own understanding.
"""

import jax, jax.numpy as jnp
import numpy as np

RADIUS = 0.2
NSAMPLE = 32
POS_DIM = 24
EPS = 1e-5


def square_distance(src, dst):
    d = -2.0 * jnp.einsum('bsc,bnc->bsn', src, dst)
    d = d + jnp.sum(src ** 2, axis=-1)[:, :, None]
    d = d + jnp.sum(dst ** 2, axis=-1)[:, None, :]
    return d


def query_ball_point(radius, nsample, xyz, new_xyz):
    B, N, _ = xyz.shape
    S = new_xyz.shape[1]
    sqrdists = square_distance(new_xyz, xyz)
    group_idx = jnp.broadcast_to(jnp.arange(N, dtype=jnp.int32)[None, None, :], (B, S, N))
    group_idx = jnp.where(sqrdists > radius ** 2, N, group_idx)
    group_idx = jnp.sort(group_idx, axis=-1)[:, :, :nsample]
    group_first = group_idx[:, :, :1]
    group_idx = jnp.where(group_idx == N, jnp.broadcast_to(group_first, group_idx.shape), group_idx)
    return group_idx


def index_points(points, idx):
    B = points.shape[0]
    batch = jnp.arange(B)[:, None, None]
    return points[batch, idx]


def rel_pos_encoding(rel_xyz, dim):
    num_freq = dim // 6
    freqs = (2.0 ** jnp.arange(num_freq, dtype=jnp.float32)) * jnp.pi
    scaled = rel_xyz[..., None] * freqs
    enc = jnp.concatenate([jnp.sin(scaled), jnp.cos(scaled)], axis=-1)
    return enc.reshape(rel_xyz.shape[:-1] + (dim,))


def layer_norm(x, g, b):
    mu = jnp.mean(x, axis=-1, keepdims=True)
    var = jnp.var(x, axis=-1, keepdims=True)
    return (x - mu) / jnp.sqrt(var + EPS) * g + b


def point_mlp(x, W, bb, g, be, act):
    x = x @ W + bb
    x = layer_norm(x, g, be)
    if act:
        x = jax.nn.gelu(x)
    return x


def setup_inputs(seed: int = 0) -> dict:
    key = jax.random.key(seed)
    ks = jax.random.split(key, 6)
    B, N, S = 4, 8192, 1024
    stem, patch = 64, 128
    d_in = stem + 3 + POS_DIM
    return {
        'xyz': jax.random.uniform(ks[0], (B, N, 3), dtype=jnp.float32),
        'point_feature': jax.random.normal(ks[1], (B, N, stem), dtype=jnp.float32),
        'patch_center': jax.random.uniform(ks[2], (B, S, 3), dtype=jnp.float32),
        'W1': jax.random.normal(ks[3], (d_in, patch), dtype=jnp.float32) * 0.05,
        'b1': jnp.zeros((patch,), jnp.float32),
        'g1': jnp.ones((patch,), jnp.float32),
        'be1': jnp.zeros((patch,), jnp.float32),
        'W2': jax.random.normal(ks[4], (patch, patch), dtype=jnp.float32) * 0.05,
        'b2': jnp.zeros((patch,), jnp.float32),
        'g2': jnp.ones((patch,), jnp.float32),
        'be2': jnp.zeros((patch,), jnp.float32),
    }


def reference(xyz, point_feature, patch_center, W1, b1, g1, be1, W2, b2, g2, be2):
    neighbor_idx = query_ball_point(RADIUS, NSAMPLE, xyz, patch_center)
    grouped_xyz = index_points(xyz, neighbor_idx)
    grouped_feature = index_points(point_feature, neighbor_idx)
    relative_xyz = grouped_xyz - patch_center[:, :, None, :]
    relative_position = rel_pos_encoding(relative_xyz, POS_DIM)
    grouped_input = jnp.concatenate((grouped_feature, relative_xyz, relative_position), axis=-1)
    h = point_mlp(grouped_input, W1, b1, g1, be1, True)
    h = point_mlp(h, W2, b2, g2, be2, False)
    patch_feature = jnp.max(h, axis=2)
    return (patch_feature, neighbor_idx)

if __name__ == "__main__":
    import jax
    _d = setup_inputs()
    print(jax.jit(kernel)(*tuple(_d.values())))

</pallas_src>

<mosaic_0001>
#map = affine_map<(d0, d1) -> (0, 0)>
#map1 = affine_map<(d0, d1) -> (0)>
module attributes {stable_mosaic.version = 14 : i64} {
  func.func @gather_k(%arg0: i32, %arg1: i32, %arg2: memref<32768x128xf32, #tpu.memory_space<hbm>>, %arg3: memref<131072xi32, #tpu.memory_space<hbm>>, %arg4: memref<131072x128xf32, #tpu.memory_space<hbm>>, %arg5: memref<512xi32, #tpu.memory_space<vmem>>, %arg6: memref<512x128xf32, #tpu.memory_space<vmem>>, %arg7: memref<!tpu.dma_semaphore, #tpu.memory_space<semaphore_mem>>) attributes {dimension_semantics = [#tpu.dimension_semantics<core_parallel>, #tpu.dimension_semantics<subcore_parallel>], iteration_bounds = array<i64: 2, 16>, scalar_prefetch = 0 : i64, scratch_operands = 3 : i64, tpu.core_type = #tpu.core_type<sc_vector_subcore>, window_params = [{transform_indices = #map}, {transform_indices = #map1}, {transform_indices = #map}]} {
    %mul3A = arith.constant 2 : i32
    %mul3A_0 = arith.muli %arg1, %mul3A : i32
    %add3A = arith.addi %mul3A_0, %arg0 : i32
    %mul3A_1 = arith.constant 4096 : i32
    %mul3A_2 = arith.muli %add3A, %mul3A_1 : i32
    %scan3A = arith.constant 0 : i32
    %scan3A_3 = arith.constant 0 : i32
    %scan3A_4 = arith.constant 8 : i32
    %scan3A_5 = arith.addi %scan3A_3, %scan3A_4 : i32
    %scan3A_6 = arith.constant 1 : i32
    scf.for %scan3A_8 = %scan3A_3 to %scan3A_5 step %scan3A_6  : i32 {
      %mul3A_9 = arith.constant 512 : i32
      %mul3A_10 = arith.muli %scan3A_8, %mul3A_9 : i32
      %add3A_11 = arith.addi %mul3A_2, %mul3A_10 : i32
      "tpu.region"() ({
        %run_scoped3A = tpu.sem_alloc : memref<!tpu.dma_semaphore, #tpu.memory_space<semaphore_mem>>
        %dma_start3A_16 = tpu.memref_slice %arg3[%add3A_11] : memref<131072xi32, #tpu.memory_space<hbm>> -> memref<512xi32, #tpu.memory_space<hbm>>
        %dma_start3A_17 = tpu.memref_slice %arg3[%add3A_11] : memref<131072xi32, #tpu.memory_space<hbm>> -> memref<512xi32, #tpu.memory_space<hbm>>
        tpu.enqueue_dma source(%dma_start3A_17 : memref<512xi32, #tpu.memory_space<hbm>>) target(%arg5 : memref<512xi32, #tpu.memory_space<vmem>>) target_semaphore(%run_scoped3A : memref<!tpu.dma_semaphore, #tpu.memory_space<semaphore_mem>>)
        %dma_wait3A_18 = tpu.memref_slice %arg3[%add3A_11] : memref<131072xi32, #tpu.memory_space<hbm>> -> memref<512xi32, #tpu.memory_space<hbm>>
        %dma_wait3A_19 = tpu.memref_slice %arg3[%add3A_11] : memref<131072xi32, #tpu.memory_space<hbm>> -> memref<512xi32, #tpu.memory_space<hbm>>
        tpu.wait_dma2 semaphore(%run_scoped3A : memref<!tpu.dma_semaphore, #tpu.memory_space<semaphore_mem>>) src(%dma_wait3A_19 : memref<512xi32, #tpu.memory_space<hbm>>) dst(%arg5 : memref<512xi32, #tpu.memory_space<vmem>>)
        tpu.yield
      }) : () -> ()
      %dma_start3A = arith.constant 0 : i32
      %dma_start3A_12 = arith.constant 0 : i32
      %dma_start3A_13 = tpu.memref_slice %arg2[%dma_start3A, %dma_start3A_12] : memref<32768x128xf32, #tpu.memory_space<hbm>> -> memref<32768x128xf32, #tpu.memory_space<hbm>>
      tpu.enqueue_indirect_dma source(%dma_start3A_13 : memref<32768x128xf32, #tpu.memory_space<hbm>>) target(%arg6 : memref<512x128xf32, #tpu.memory_space<vmem>>) offsets(%arg5 : memref<512xi32, #tpu.memory_space<vmem>>) semaphore(%arg7 : memref<!tpu.dma_semaphore, #tpu.memory_space<semaphore_mem>>)
      %dma_wait3A = arith.constant 0 : i32
      %dma_wait3A_14 = arith.constant 0 : i32
      %dma_wait3A_15 = tpu.memref_slice %arg2[%dma_wait3A, %dma_wait3A_14] : memref<32768x128xf32, #tpu.memory_space<hbm>> -> memref<32768x128xf32, #tpu.memory_space<hbm>>
      tpu.wait_indirect_dma semaphore(%arg7 : memref<!tpu.dma_semaphore, #tpu.memory_space<semaphore_mem>>) src(%dma_wait3A_15 : memref<32768x128xf32, #tpu.memory_space<hbm>>) dst(%arg6 : memref<512x128xf32, #tpu.memory_space<vmem>>)
      "tpu.region"() ({
        %run_scoped3A = tpu.sem_alloc : memref<!tpu.dma_semaphore, #tpu.memory_space<semaphore_mem>>
        %dma_start3A_16 = arith.constant 0 : i32
        %dma_start3A_17 = tpu.memref_slice %arg4[%add3A_11, %dma_start3A_16] : memref<131072x128xf32, #tpu.memory_space<hbm>> -> memref<512x128xf32, #tpu.memory_space<hbm>>
        %dma_start3A_18 = arith.constant 0 : i32
        %dma_start3A_19 = tpu.memref_slice %arg4[%add3A_11, %dma_start3A_18] : memref<131072x128xf32, #tpu.memory_space<hbm>> -> memref<512x128xf32, #tpu.memory_space<hbm>>
        tpu.enqueue_dma source(%arg6 : memref<512x128xf32, #tpu.memory_space<vmem>>) target(%dma_start3A_19 : memref<512x128xf32, #tpu.memory_space<hbm>>) target_semaphore(%run_scoped3A : memref<!tpu.dma_semaphore, #tpu.memory_space<semaphore_mem>>)
        %dma_wait3A_20 = arith.constant 0 : i32
        %dma_wait3A_21 = tpu.memref_slice %arg4[%add3A_11, %dma_wait3A_20] : memref<131072x128xf32, #tpu.memory_space<hbm>> -> memref<512x128xf32, #tpu.memory_space<hbm>>
        %dma_wait3A_22 = arith.constant 0 : i32
        %dma_wait3A_23 = tpu.memref_slice %arg4[%add3A_11, %dma_wait3A_22] : memref<131072x128xf32, #tpu.memory_space<hbm>> -> memref<512x128xf32, #tpu.memory_space<hbm>>
        tpu.wait_dma2 semaphore(%run_scoped3A : memref<!tpu.dma_semaphore, #tpu.memory_space<semaphore_mem>>) src(%arg6 : memref<512x128xf32, #tpu.memory_space<vmem>>) dst(%dma_wait3A_23 : memref<512x128xf32, #tpu.memory_space<hbm>>)
        tpu.yield
      }) : () -> ()
    }
    %scan3A_7 = arith.constant 8 : i32
    return
  }
}

module attributes {stable_mosaic.version = 14 : i64} {
  func.func @_ballq_body(%arg0: i32, %arg1: i32, %arg2: memref<1x256x3xf32, #tpu.memory_space<vmem>>, %arg3: memref<1x3x8192xf32, #tpu.memory_space<vmem>>, %arg4: memref<1x256x32xi32, #tpu.memory_space<vmem>>, %arg5: memref<1x256x32xi32, #tpu.memory_space<vmem>>, %arg6: memref<256x1xf32, #tpu.memory_space<vmem>>, %arg7: memref<256x32xf32, #tpu.memory_space<vmem>>) attributes {dimension_semantics = [#tpu.dimension_semantics<arbitrary>, #tpu.dimension_semantics<arbitrary>], iteration_bounds = array<i64: 4, 4>, scalar_prefetch = 0 : i64, scratch_operands = 2 : i64, tpu.core_type = #tpu.core_type<tc>, window_params = [{transform_indices = @transform_0, window_bounds = array<i64: 1, 256, 3>}, {transform_indices = @transform_1, window_bounds = array<i64: 1, 3, 8192>}, {transform_indices = @transform_2, window_bounds = array<i64: 1, 256, 32>}, {transform_indices = @transform_3, window_bounds = array<i64: 1, 256, 32>}]} {
    %broadcast_in_dim3A = arith.constant 0.000000e+00 : f32
    %broadcast_in_dim3A_0 = vector.broadcast %broadcast_in_dim3A : f32 to vector<256x1xf32>
    %swap3A = arith.constant 0 : index
    %swap3A_1 = arith.constant 0 : index
    %swap3A_2 = vector.load %arg6[%swap3A, %swap3A_1] : memref<256x1xf32, #tpu.memory_space<vmem>>, vector<256x1xf32>
    tpu.vector_store %arg6[%swap3A, %swap3A_1], %broadcast_in_dim3A_0 {strides = array<i32>} : memref<256x1xf32, #tpu.memory_space<vmem>>, vector<256x1xf32>,
    %broadcast_in_dim3A_3 = arith.constant 8.192000e+03 : f32
    %broadcast_in_dim3A_4 = vector.broadcast %broadcast_in_dim3A_3 : f32 to vector<256x32xf32>
    %swap3A_5 = arith.constant 0 : index
    %swap3A_6 = arith.constant 0 : index
    %swap3A_7 = vector.load %arg7[%swap3A_5, %swap3A_6] : memref<256x32xf32, #tpu.memory_space<vmem>>, vector<256x32xf32>
    tpu.vector_store %arg7[%swap3A_5, %swap3A_6], %broadcast_in_dim3A_4 {strides = array<i32>} : memref<256x32xf32, #tpu.memory_space<vmem>>, vector<256x32xf32>,
    %get3A = arith.constant 0 : index
    %get3A_8 = arith.constant 0 : index
    %get3A_9 = arith.constant 0 : index
    %get3A_10 = vector.load %arg2[%get3A, %get3A_8, %get3A_9] : memref<1x256x3xf32, #tpu.memory_space<vmem>>, vector<1x256x3xf32>
    %get3A_11 = vector.shape_cast %get3A_10 : vector<1x256x3xf32> to vector<256x3xf32>
    %slice3A = vector.extract_strided_slice %get3A_11 {offsets = [0, 0], sizes = [256, 1], strides = [1, 1]} : vector<256x3xf32> to vector<256x1xf32>
    %slice3A_12 = vector.extract_strided_slice %get3A_11 {offsets = [0, 1], sizes = [256, 1], strides = [1, 1]} : vector<256x3xf32> to vector<256x1xf32>
    %slice3A_13 = vector.extract_strided_slice %get3A_11 {offsets = [0, 2], sizes = [256, 1], strides = [1, 1]} : vector<256x3xf32> to vector<256x1xf32>
    %mul3A = arith.mulf %slice3A, %slice3A : vector<256x1xf32>
    %mul3A_14 = arith.mulf %slice3A_12, %slice3A_12 : vector<256x1xf32>
    %add3A = arith.addf %mul3A, %mul3A_14 : vector<256x1xf32>
    %mul3A_15 = arith.mulf %slice3A_13, %slice3A_13 : vector<256x1xf32>
    %add3A_16 = arith.addf %add3A, %mul3A_15 : vector<256x1xf32>
    %iota3A = tpu.iota {dimensions = array<i32: 0>} : vector<256x256xi32>
    %iota3A_17 = tpu.iota {dimensions = array<i32: 1>} : vector<256x256xi32>
    %le3A = arith.cmpi sle, %iota3A, %iota3A_17 : vector<256x256xi32>
    %convert_element_type3A = arith.extui %le3A : vector<256x256xi1> to vector<256x256xi32>
    %convert_element_type3A_18 = arith.sitofp %convert_element_type3A : vector<256x256xi32> to vector<256x256xf32>
    %scan3A = arith.constant 4.000000e-02 : f32
    %scan3A_19 = arith.constant 0 : i32
    %scan3A_20 = arith.constant 32 : i32
    %scan3A_21 = arith.addi %scan3A_19, %scan3A_20 : i32
    %scan3A_22 = arith.constant 1 : i32
    scf.for %scan3A_53 = %scan3A_19 to %scan3A_21 step %scan3A_22  : i32 {
      %mul3A_54 = arith.constant 256 : i32
      %mul3A_55 = arith.muli %scan3A_53, %mul3A_54 : i32
      %get3A_56 = arith.constant 0 : index
      %get3A_57 = arith.constant 0 : index
      %get3A_58 = arith.index_cast %mul3A_55 : i32 to index
      %get3A_59 = vector.load %arg3[%get3A_56, %get3A_57, %get3A_58] : memref<1x3x8192xf32, #tpu.memory_space<vmem>>, vector<1x1x256xf32>
      %get3A_60 = vector.shape_cast %get3A_59 : vector<1x1x256xf32> to vector<1x256xf32>
      %mul3A_61 = arith.constant 256 : i32
      %mul3A_62 = arith.muli %scan3A_53, %mul3A_61 : i32
      %get3A_63 = arith.constant 0 : index
      %get3A_64 = arith.constant 1 : index
      %get3A_65 = arith.index_cast %mul3A_62 : i32 to index
      %get3A_66 = vector.load %arg3[%get3A_63, %get3A_64, %get3A_65] : memref<1x3x8192xf32, #tpu.memory_space<vmem>>, vector<1x1x256xf32>
      %get3A_67 = vector.shape_cast %get3A_66 : vector<1x1x256xf32> to vector<1x256xf32>
      %mul3A_68 = arith.constant 256 : i32
      %mul3A_69 = arith.muli %scan3A_53, %mul3A_68 : i32
      %get3A_70 = arith.constant 0 : index
      %get3A_71 = arith.constant 2 : index
      %get3A_72 = arith.index_cast %mul3A_69 : i32 to index
      %get3A_73 = vector.load %arg3[%get3A_70, %get3A_71, %get3A_72] : memref<1x3x8192xf32, #tpu.memory_space<vmem>>, vector<1x1x256xf32>
      %get3A_74 = vector.shape_cast %get3A_73 : vector<1x1x256xf32> to vector<1x256xf32>
      %mul3A_75 = arith.mulf %get3A_60, %get3A_60 : vector<1x256xf32>
      %mul3A_76 = arith.mulf %get3A_67, %get3A_67 : vector<1x256xf32>
      %add3A_77 = arith.addf %mul3A_75, %mul3A_76 : vector<1x256xf32>
      %mul3A_78 = arith.mulf %get3A_74, %get3A_74 : vector<1x256xf32>
      %add3A_79 = arith.addf %add3A_77, %mul3A_78 : vector<1x256xf32>
      %convert_element_type3A_80 = arith.truncf %slice3A : vector<256x1xf32> to vector<256x1xbf16>
      %convert_element_type3A_81 = arith.extf %convert_element_type3A_80 : vector<256x1xbf16> to vector<256x1xf32>
      %convert_element_type3A_82 = arith.truncf %get3A_60 : vector<1x256xf32> to vector<1x256xbf16>
      %convert_element_type3A_83 = arith.extf %convert_element_type3A_82 : vector<1x256xbf16> to vector<1x256xf32>
      %mul3A_84 = vector.broadcast %convert_element_type3A_81 : vector<256x1xf32> to vector<256x256xf32>
      %mul3A_85 = vector.broadcast %convert_element_type3A_83 : vector<1x256xf32> to vector<256x256xf32>
      %mul3A_86 = arith.mulf %mul3A_84, %mul3A_85 : vector<256x256xf32>
      %convert_element_type3A_87 = arith.truncf %slice3A_12 : vector<256x1xf32> to vector<256x1xbf16>
      %convert_element_type3A_88 = arith.extf %convert_element_type3A_87 : vector<256x1xbf16> to vector<256x1xf32>
      %convert_element_type3A_89 = arith.truncf %get3A_67 : vector<1x256xf32> to vector<1x256xbf16>
      %convert_element_type3A_90 = arith.extf %convert_element_type3A_89 : vector<1x256xbf16> to vector<1x256xf32>
      %mul3A_91 = vector.broadcast %convert_element_type3A_88 : vector<256x1xf32> to vector<256x256xf32>
      %mul3A_92 = vector.broadcast %convert_element_type3A_90 : vector<1x256xf32> to vector<256x256xf32>
      %mul3A_93 = arith.mulf %mul3A_91, %mul3A_92 : vector<256x256xf32>
      %add3A_94 = arith.addf %mul3A_86, %mul3A_93 : vector<256x256xf32>
      %convert_element_type3A_95 = arith.truncf %slice3A_13 : vector<256x1xf32> to vector<256x1xbf16>
      %convert_element_type3A_96 = arith.extf %convert_element_type3A_95 : vector<256x1xbf16> to vector<256x1xf32>
      %convert_element_type3A_97 = arith.truncf %get3A_74 : vector<1x256xf32> to vector<1x256xbf16>
      %convert_element_type3A_98 = arith.extf %convert_element_type3A_97 : vector<1x256xbf16> to vector<1x256xf32>
      %mul3A_99 = vector.broadcast %convert_element_type3A_96 : vector<256x1xf32> to vector<256x256xf32>
      %mul3A_100 = vector.broadcast %convert_element_type3A_98 : vector<1x256xf32> to vector<256x256xf32>
      %mul3A_101 = arith.mulf %mul3A_99, %mul3A_100 : vector<256x256xf32>
      %add3A_102 = arith.addf %add3A_94, %mul3A_101 : vector<256x256xf32>
      %mul3A_103 = arith.constant -2.000000e+00 : f32
      %mul3A_104 = vector.broadcast %mul3A_103 : f32 to vector<256x256xf32>
      %mul3A_105 = arith.mulf %mul3A_104, %add3A_102 : vector<256x256xf32>
      %add3A_106 = vector.broadcast %add3A_16 : vector<256x1xf32> to vector<256x256xf32>
      %add3A_107 = arith.addf %mul3A_105, %add3A_106 : vector<256x256xf32>
      %add3A_108 = vector.broadcast %add3A_79 : vector<1x256xf32> to vector<256x256xf32>
      %add3A_109 = arith.addf %add3A_107, %add3A_108 : vector<256x256xf32>
      %le3A_110 = vector.broadcast %scan3A : f32 to vector<256x256xf32>
      %le3A_111 = arith.cmpf ole, %add3A_109, %le3A_110 : vector<256x256xf32>
      %convert_element_type3A_112 = arith.extui %le3A_111 : vector<256x256xi1> to vector<256x256xi32>
      %convert_element_type3A_113 = arith.sitofp %convert_element_type3A_112 : vector<256x256xi32> to vector<256x256xf32>
      %get3A_114 = arith.constant 0 : index
      %get3A_115 = arith.constant 0 : index
      %get3A_116 = vector.load %arg6[%get3A_114, %get3A_115] : memref<256x1xf32, #tpu.memory_space<vmem>>, vector<256x1xf32>
      %reduce_min3A = vector.shape_cast %get3A_116 : vector<256x1xf32> to vector<1x256x1xf32>
      %reduce_min3A_117 = arith.constant dense<0x7F800000> : vector<1xf32>
      %reduce_min3A_118 = vector.multi_reduction <minimumf>, %reduce_min3A, %reduce_min3A_117 [1, 2] : vector<1x256x1xf32> to vector<1xf32>
      %reduce_min3A_119 = vector.shape_cast %reduce_min3A_118 : vector<1xf32> to vector<1x1x1xf32>
      %reduce_min3A_120 = vector.extract %reduce_min3A_119[0, 0, 0] : f32 from vector<1x1x1xf32>
      %lt3A = arith.constant 3.200000e+01 : f32
      %lt3A_121 = arith.cmpf olt, %reduce_min3A_120, %lt3A : f32
      %convert_element_type3A_122 = arith.extui %lt3A_121 : i1 to i32
      %cond3A = arith.constant 0 : i32
      %cond3A_123 = arith.cmpi ne, %convert_element_type3A_122, %cond3A : i32
      scf.if %cond3A_123 {
        %dot_general3A = arith.constant dense<0.000000e+00> : vector<256x256xf32>
        %dot_general3A_124 = tpu.matmul %convert_element_type3A_113, %convert_element_type3A_18, %dot_general3A {dimension_numbers = #tpu.dot_dimension_numbers<[1], [0], [0], [1], [0, 0, 1, 1], [], []>, transpose_lhs_hint = false} : vector<256x256xf32>, vector<256x256xf32>, vector<256x256xf32> -> vector<256x256xf32>
        %get3A_125 = arith.constant 0 : index
        %get3A_126 = arith.constant 0 : index
        %get3A_127 = vector.load %arg6[%get3A_125, %get3A_126] : memref<256x1xf32, #tpu.memory_space<vmem>>, vector<256x1xf32>
        %add3A_128 = vector.broadcast %get3A_127 : vector<256x1xf32> to vector<256x256xf32>
        %add3A_129 = arith.addf %add3A_128, %dot_general3A_124 : vector<256x256xf32>
        %sub3A = arith.subf %add3A_129, %convert_element_type3A_113 : vector<256x256xf32>
        %jit3A = arith.constant -1.000000e+00 : f32
        %broadcast_in_dim3A_130 = vector.broadcast %jit3A : f32 to vector<256x256xf32>
        %select_n3A_131 = arith.select %le3A_111, %sub3A, %broadcast_in_dim3A_130 : vector<256x256xi1>, vector<256x256xf32>
        %mul3A_132 = arith.constant 256 : i32
        %mul3A_133 = arith.muli %scan3A_53, %mul3A_132 : i32
        %convert_element_type3A_134 = arith.sitofp %mul3A_133 : i32 to f32
        %iota3A_135 = tpu.iota {dimensions = array<i32: 1>} : vector<256x256xi32>
        %convert_element_type3A_136 = arith.sitofp %iota3A_135 : vector<256x256xi32> to vector<256x256xf32>
        %add3A_137 = vector.broadcast %convert_element_type3A_134 : f32 to vector<256x256xf32>
        %add3A_138 = arith.addf %add3A_137, %convert_element_type3A_136 : vector<256x256xf32>
        %eq3A_139 = arith.constant 0.000000e+00 : f32
        %eq3A_140 = vector.broadcast %eq3A_139 : f32 to vector<256x256xf32>
        %eq3A_141 = arith.cmpf oeq, %select_n3A_131, %eq3A_140 : vector<256x256xf32>
        %jit3A_142 = arith.constant 8.192000e+03 : f32
        %broadcast_in_dim3A_143 = vector.broadcast %jit3A_142 : f32 to vector<256x256xf32>
        %select_n3A_144 = arith.select %eq3A_141, %add3A_138, %broadcast_in_dim3A_143 : vector<256x256xi1>, vector<256x256xf32>
        %reduce_min3A_145 = arith.constant dense<0x7F800000> : vector<256xf32>
        %reduce_min3A_146 = vector.multi_reduction <minimumf>, %select_n3A_144, %reduce_min3A_145 [1] : vector<256x256xf32> to vector<256xf32>
        %broadcast_in_dim3A_147 = vector.shape_cast %reduce_min3A_146 : vector<256xf32> to vector<256x1xf32>
        %get3A_148 = arith.constant 0 : index
        %get3A_149 = arith.constant 0 : index
        %get3A_150 = vector.load %arg7[%get3A_148, %get3A_149] : memref<256x32xf32, #tpu.memory_space<vmem>>, vector<256x1xf32>
        %min3A_151 = arith.minimumf %get3A_150, %broadcast_in_dim3A_147 : vector<256x1xf32>
        %swap3A_152 = arith.constant 0 : index
        %swap3A_153 = arith.constant 0 : index
        %swap3A_154 = vector.load %arg7[%swap3A_152, %swap3A_153] : memref<256x32xf32, #tpu.memory_space<vmem>>, vector<256x1xf32>
        tpu.vector_store %arg7[%swap3A_152, %swap3A_153], %min3A_151 {strides = array<i32>} : memref<256x32xf32, #tpu.memory_space<vmem>>, vector<256x1xf32>,
        %eq3A_155 = arith.constant 1.000000e+00 : f32
        %eq3A_156 = vector.broadcast %eq3A_155 : f32 to vector<256x256xf32>
        %eq3A_157 = arith.cmpf oeq, %select_n3A_131, %eq3A_156 : vector<256x256xf32>
        %jit3A_158 = arith.constant 8.192000e+03 : f32
        %broadcast_in_dim3A_159 = vector.broadcast %jit3A_158 : f32 to vector<256x256xf32>
        %select_n3A_160 = arith.select %eq3A_157, %add3A_138, %broadcast_in_dim3A_159 : vector<256x256xi1>, vector<256x256xf32>
        %reduce_min3A_161 = arith.constant dense<0x7F800000> : vector<256xf32>
        %reduce_min3A_162 = vector.multi_reduction <minimumf>, %select_n3A_160, %reduce_min3A_161 [1] : vector<256x256xf32> to vector<256xf32>
        %broadcast_in_dim3A_163 = vector.shape_cast %reduce_min3A_162 : vector<256xf32> to vector<256x1xf32>
        %get3A_164 = arith.constant 0 : index
        %get3A_165 = arith.constant 1 : index
        %get3A_166 = vector.load %arg7[%get3A_164, %get3A_165] : memref<256x32xf32, #tpu.memory_space<vmem>>, vector<256x1xf32>
        %min3A_167 = arith.minimumf %get3A_166, %broadcast_in_dim3A_163 : vector<256x1xf32>
        %swap3A_168 = arith.constant 0 : index
        %swap3A_169 = arith.constant 1 : index
        %swap3A_170 = vector.load %arg7[%swap3A_168, %swap3A_169] : memref<256x32xf32, #tpu.memory_space<vmem>>, vector<256x1xf32>
        tpu.vector_store %arg7[%swap3A_168, %swap3A_169], %min3A_167 {strides = array<i32>} : memref<256x32xf32, #tpu.memory_space<vmem>>, vector<256x1xf32>,
        %eq3A_171 = arith.constant 2.000000e+00 : f32
        %eq3A_172 = vector.broadcast %eq3A_171 : f32 to vector<256x256xf32>
        %eq3A_173 = arith.cmpf oeq, %select_n3A_131, %eq3A_172 : vector<256x256xf32>
        %jit3A_174 = arith.constant 8.192000e+03 : f32
        %broadcast_in_dim3A_175 = vector.broadcast %jit3A_174 : f32 to vector<256x256xf32>
        %select_n3A_176 = arith.select %eq3A_173, %add3A_138, %broadcast_in_dim3A_175 : vector<256x256xi1>, vector<256x256xf32>
        %reduce_min3A_177 = arith.constant dense<0x7F800000> : vector<256xf32>
        %reduce_min3A_178 = vector.multi_reduction <minimumf>, %select_n3A_176, %reduce_min3A_177 [1] : vector<256x256xf32> to vector<256xf32>
        %broadcast_in_dim3A_179 = vector.shape_cast %reduce_min3A_178 : vector<256xf32> to vector<256x1xf32>
        %get3A_180 = arith.constant 0 : index
        %get3A_181 = arith.constant 2 : index
        %get3A_182 = vector.load %arg7[%get3A_180, %get3A_181] : memref<256x32xf32, #tpu.memory_space<vmem>>, vector<256x1xf32>
        %min3A_183 = arith.minimumf %get3A_182, %broadcast_in_dim3A_179 : vector<256x1xf32>
        %swap3A_184 = arith.constant 0 : index
        %swap3A_185 = arith.constant 2 : index
        %swap3A_186 = vector.load %arg7[%swap3A_184, %swap3A_185] : memref<256x32xf32, #tpu.memory_space<vmem>>, vector<256x1xf32>
        tpu.vector_store %arg7[%swap3A_184, %swap3A_185], %min3A_183 {strides = array<i32>} : memref<256x32xf32, #tpu.memory_space<vmem>>, vector<256x1xf32>,
        %eq3A_187 = arith.constant 3.000000e+00 : f32
        %eq3A_188 = vector.broadcast %eq3A_187 : f32 to vector<256x256xf32>
        %eq3A_189 = arith.cmpf oeq, %select_n3A_131, %eq3A_188 : vector<256x256xf32>
        %jit3A_190 = arith.constant 8.192000e+03 : f32
        %broadcast_in_dim3A_191 = vector.broadcast %jit3A_190 : f32 to vector<256x256xf32>
        %select_n3A_192 = arith.select %eq3A_189, %add3A_138, %broadcast_in_dim3A_191 : vector<256x256xi1>, vector<256x256xf32>
        %reduce_min3A_193 = arith.constant dense<0x7F800000> : vector<256xf32>
        %reduce_min3A_194 = vector.multi_reduction <minimumf>, %select_n3A_192, %reduce_min3A_193 [1] : vector<256x256xf32> to vector<256xf32>
        %broadcast_in_dim3A_195 = vector.shape_cast %reduce_min3A_194 : vector<256xf32> to vector<256x1xf32>
        %get3A_196 = arith.constant 0 : index
        %get3A_197 = arith.constant 3 : index
        %get3A_198 = vector.load %arg7[%get3A_196, %get3A_197] : memref<256x32xf32, #tpu.memory_space<vmem>>, vector<256x1xf32>
        %min3A_199 = arith.minimumf %get3A_198, %broadcast_in_dim3A_195 : vector<256x1xf32>
        %swap3A_200 = arith.constant 0 : index
        %swap3A_201 = arith.constant 3 : index
        %swap3A_202 = vector.load %arg7[%swap3A_200, %swap3A_201] : memref<256x32xf32, #tpu.memory_space<vmem>>, vector<256x1xf32>
        tpu.vector_store %arg7[%swap3A_200, %swap3A_201], %min3A_199 {strides = array<i32>} : memref<256x32xf32, #tpu.memory_space<vmem>>, vector<256x1xf32>,
        %eq3A_203 = arith.constant 4.000000e+00 : f32
        %eq3A_204 = vector.broadcast %eq3A_203 : f32 to vector<256x256xf32>
        %eq3A_205 = arith.cmpf oeq, %select_n3A_131, %eq3A_204 : vector<256x256xf32>
        %jit3A_206 = arith.constant 8.192000e+03 : f32
        %broadcast_in_dim3A_207 = vector.broadcast %jit3A_206 : f32 to vector<256x256xf32>
        %select_n3A_208 = arith.select %eq3A_205, %add3A_138, %broadcast_in_dim3A_207 : vector<256x256xi1>, vector<256x256xf32>
        %reduce_min3A_209 = arith.constant dense<0x7F800000> : vector<256xf32>
        %reduce_min3A_210 = vector.multi_reduction <minimumf>, %select_n3A_208, %reduce_min3A_209 [1] : vector<256x256xf32> to vector<256xf32>
        %broadcast_in_dim3A_211 = vector.shape_cast %reduce_min3A_210 : vector<256xf32> to vector<256x1xf32>
        %get3A_212 = arith.constant 0 : index
        %get3A_213 = arith.constant 4 : index
        %get3A_214 = vector.load %arg7[%get3A_212, %get3A_213] : memref<256x32xf32, #tpu.memory_space<vmem>>, vector<256x1xf32>
        %min3A_215 = arith.minimumf %get3A_214, %broadcast_in_dim3A_211 : vector<256x1xf32>
        %swap3A_216 = arith.constant 0 : index
        %swap3A_217 = arith.constant 4 : index
        %swap3A_218 = vector.load %arg7[%swap3A_216, %swap3A_217] : memref<256x32xf32, #tpu.memory_space<vmem>>, vector<256x1xf32>
        tpu.vector_store %arg7[%swap3A_216, %swap3A_217], %min3A_215 {strides = array<i32>} : memref<256x32xf32, #tpu.memory_space<vmem>>, vector<256x1xf32>,
        %eq3A_219 = arith.constant 5.000000e+00 : f32
        %eq3A_220 = vector.broadcast %eq3A_219 : f32 to vector<256x256xf32>
        %eq3A_221 = arith.cmpf oeq, %select_n3A_131, %eq3A_220 : vector<256x256xf32>
        %jit3A_222 = arith.constant 8.192000e+03 : f32
        %broadcast_in_dim3A_223 = vector.broadcast %jit3A_222 : f32 to vector<256x256xf32>
        %select_n3A_224 = arith.select %eq3A_221, %add3A_138, %broadcast_in_dim3A_223 : vector<256x256xi1>, vector<256x256xf32>
        %reduce_min3A_225 = arith.constant dense<0x7F800000> : vector<256xf32>
        %reduce_min3A_226 = vector.multi_reduction <minimumf>, %select_n3A_224, %reduce_min3A_225 [1] : vector<256x256xf32> to vector<256xf32>
        %broadcast_in_dim3A_227 = vector.shape_cast %reduce_min3A_226 : vector<256xf32> to vector<256x1xf32>
        %get3A_228 = arith.constant 0 : index
        %get3A_229 = arith.constant 5 : index
        %get3A_230 = vector.load %arg7[%get3A_228, %get3A_229] : memref<256x32xf32, #tpu.memory_space<vmem>>, vector<256x1xf32>
        %min3A_231 = arith.minimumf %get3A_230, %broadcast_in_dim3A_227 : vector<256x1xf32>
        %swap3A_232 = arith.constant 0 : index
        %swap3A_233 = arith.constant 5 : index
        %swap3A_234 = vector.load %arg7[%swap3A_232, %swap3A_233] : memref<256x32xf32, #tpu.memory_space<vmem>>, vector<256x1xf32>
        tpu.vector_store %arg7[%swap3A_232, %swap3A_233], %min3A_231 {strides = array<i32>} : memref<256x32xf32, #tpu.memory_space<vmem>>, vector<256x1xf32>,
        %eq3A_235 = arith.constant 6.000000e+00 : f32
        %eq3A_236 = vector.broadcast %eq3A_235 : f32 to vector<256x256xf32>
        %eq3A_237 = arith.cmpf oeq, %select_n3A_131, %eq3A_236 : vector<256x256xf32>
        %jit3A_238 = arith.constant 8.192000e+03 : f32
        %broadcast_in_dim3A_239 = vector.broadcast %jit3A_238 : f32 to vector<256x256xf32>
        %select_n3A_240 = arith.select %eq3A_237, %add3A_138, %broadcast_in_dim3A_239 : vector<256x256xi1>, vector<256x256xf32>
        %reduce_min3A_241 = arith.constant dense<0x7F800000> : vector<256xf32>
        %reduce_min3A_242 = vector.multi_reduction <minimumf>, %select_n3A_240, %reduce_min3A_241 [1] : vector<256x256xf32> to vector<256xf32>
        %broadcast_in_dim3A_243 = vector.shape_cast %reduce_min3A_242 : vector<256xf32> to vector<256x1xf32>
        %get3A_244 = arith.constant 0 : index
        %get3A_245 = arith.constant 6 : index
        %get3A_246 = vector.load %arg7[%get3A_244, %get3A_245] : memref<256x32xf32, #tpu.memory_space<vmem>>, vector<256x1xf32>
        %min3A_247 = arith.minimumf %get3A_246, %broadcast_in_dim3A_243 : vector<256x1xf32>
        %swap3A_248 = arith.constant 0 : index
        %swap3A_249 = arith.constant 6 : index
        %swap3A_250 = vector.load %arg7[%swap3A_248, %swap3A_249] : memref<256x32xf32, #tpu.memory_space<vmem>>, vector<256x1xf32>
        tpu.vector_store %arg7[%swap3A_248, %swap3A_249], %min3A_247 {strides = array<i32>} : memref<256x32xf32, #tpu.memory_space<vmem>>, vector<256x1xf32>,
        %eq3A_251 = arith.constant 7.000000e+00 : f32
        %eq3A_252 = vector.broadcast %eq3A_251 : f32 to vector<256x256xf32>
        %eq3A_253 = arith.cmpf oeq, %select_n3A_131, %eq3A_252 : vector<256x256xf32>
        %jit3A_254 = arith.constant 8.192000e+03 : f32
        %broadcast_in_dim3A_255 = vector.broadcast %jit3A_254 : f32 to vector<256x256xf32>
        %select_n3A_256 = arith.select %eq3A_253, %add3A_138, %broadcast_in_dim3A_255 : vector<256x256xi1>, vector<256x256xf32>
        %reduce_min3A_257 = arith.constant dense<0x7F800000> : vector<256xf32>
        %reduce_min3A_258 = vector.multi_reduction <minimumf>, %select_n3A_256, %reduce_min3A_257 [1] : vector<256x256xf32> to vector<256xf32>
        %broadcast_in_dim3A_259 = vector.shape_cast %reduce_min3A_258 : vector<256xf32> to vector<256x1xf32>
        %get3A_260 = arith.constant 0 : index
        %get3A_261 = arith.constant 7 : index
        %get3A_262 = vector.load %arg7[%get3A_260, %get3A_261] : memref<256x32xf32, #tpu.memory_space<vmem>>, vector<256x1xf32>
        %min3A_263 = arith.minimumf %get3A_262, %broadcast_in_dim3A_259 : vector<256x1xf32>
        %swap3A_264 = arith.constant 0 : index
        %swap3A_265 = arith.constant 7 : index
        %swap3A_266 = vector.load %arg7[%swap3A_264, %swap3A_265] : memref<256x32xf32, #tpu.memory_space<vmem>>, vector<256x1xf32>
        tpu.vector_store %arg7[%swap3A_264, %swap3A_265], %min3A_263 {strides = array<i32>} : memref<256x32xf32, #tpu.memory_space<vmem>>, vector<256x1xf32>,
        %eq3A_267 = arith.constant 8.000000e+00 : f32
        %eq3A_268 = vector.broadcast %eq3A_267 : f32 to vector<256x256xf32>
        %eq3A_269 = arith.cmpf oeq, %select_n3A_131, %eq3A_268 : vector<256x256xf32>
        %jit3A_270 = arith.constant 8.192000e+03 : f32
        %broadcast_in_dim3A_271 = vector.broadcast %jit3A_270 : f32 to vector<256x256xf32>
        %select_n3A_272 = arith.select %eq3A_269, %add3A_138, %broadcast_in_dim3A_271 : vector<256x256xi1>, vector<256x256xf32>
        %reduce_min3A_273 = arith.constant dense<0x7F800000> : vector<256xf32>
        %reduce_min3A_274 = vector.multi_reduction <minimumf>, %select_n3A_272, %reduce_min3A_273 [1] : vector<256x256xf32> to vector<256xf32>
        %broadcast_in_dim3A_275 = vector.shape_cast %reduce_min3A_274 : vector<256xf32> to vector<256x1xf32>
        %get3A_276 = arith.constant 0 : index
        %get3A_277 = arith.constant 8 : index
        %get3A_278 = vector.load %arg7[%get3A_276, %get3A_277] : memref<256x32xf32, #tpu.memory_space<vmem>>, vector<256x1xf32>
        %min3A_279 = arith.minimumf %get3A_278, %broadcast_in_dim3A_275 : vector<256x1xf32>
        %swap3A_280 = arith.constant 0 : index
        %swap3A_281 = arith.constant 8 : index
        %swap3A_282 = vector.load %arg7[%swap3A_280, %swap3A_281] : memref<256x32xf32, #tpu.memory_space<vmem>>, vector<256x1xf32>
        tpu.vector_store %arg7[%swap3A_280, %swap3A_281], %min3A_279 {strides = array<i32>} : memref<256x32xf32, #tpu.memory_space<vmem>>, vector<256x1xf32>,
        %eq3A_283 = arith.constant 9.000000e+00 : f32
        %eq3A_284 = vector.broadcast %eq3A_283 : f32 to vector<256x256xf32>
        %eq3A_285 = arith.cmpf oeq, %select_n3A_131, %eq3A_284 : vector<256x256xf32>
        %jit3A_286 = arith.constant 8.192000e+03 : f32
        %broadcast_in_dim3A_287 = vector.broadcast %jit3A_286 : f32 to vector<256x256xf32>
        %select_n3A_288 = arith.select %eq3A_285, %add3A_138, %broadcast_in_dim3A_287 : vector<256x256xi1>, vector<256x256xf32>
        %reduce_min3A_289 = arith.constant dense<0x7F800000> : vector<256xf32>
        %reduce_min3A_290 = vector.multi_reduction <minimumf>, %select_n3A_288, %reduce_min3A_289 [1] : vector<256x256xf32> to vector<256xf32>
        %broadcast_in_dim3A_291 = vector.shape_cast %reduce_min3A_290 : vector<256xf32> to vector<256x1xf32>
        %get3A_292 = arith.constant 0 : index
        %get3A_293 = arith.constant 9 : index
        %get3A_294 = vector.load %arg7[%get3A_292, %get3A_293] : memref<256x32xf32, #tpu.memory_space<vmem>>, vector<256x1xf32>
        %min3A_295 = arith.minimumf %get3A_294, %broadcast_in_dim3A_291 : vector<256x1xf32>
        %swap3A_296 = arith.constant 0 : index
        %swap3A_297 = arith.constant 9 : index
        %swap3A_298 = vector.load %arg7[%swap3A_296, %swap3A_297] : memref<256x32xf32, #tpu.memory_space<vmem>>, vector<256x1xf32>
        tpu.vector_store %arg7[%swap3A_296, %swap3A_297], %min3A_295 {strides = array<i32>} : memref<256x32xf32, #tpu.memory_space<vmem>>, vector<256x1xf32>,
        %eq3A_299 = arith.constant 1.000000e+01 : f32
        %eq3A_300 = vector.broadcast %eq3A_299 : f32 to vector<256x256xf32>
        %eq3A_301 = arith.cmpf oeq, %select_n3A_131, %eq3A_300 : vector<256x256xf32>
        %jit3A_302 = arith.constant 8.192000e+03 : f32
        %broadcast_in_dim3A_303 = vector.broadcast %jit3A_302 : f32 to vector<256x256xf32>
        %select_n3A_304 = arith.select %eq3A_301, %add3A_138, %broadcast_in_dim3A_303 : vector<256x256xi1>, vector<256x256xf32>
        %reduce_min3A_305 = arith.constant dense<0x7F800000> : vector<256xf32>
        %reduce_min3A_306 = vector.multi_reduction <minimumf>, %select_n3A_304, %reduce_min3A_305 [1] : vector<256x256xf32> to vector<256xf32>
        %broadcast_in_dim3A_307 = vector.shape_cast %reduce_min3A_306 : vector<256xf32> to vector<256x1xf32>
        %get3A_308 = arith.constant 0 : index
        %get3A_309 = arith.constant 10 : index
        %get3A_310 = vector.load %arg7[%get3A_308, %get3A_309] : memref<256x32xf32, #tpu.memory_space<vmem>>, vector<256x1xf32>
        %min3A_311 = arith.minimumf %get3A_310, %broadcast_in_dim3A_307 : vector<256x1xf32>
        %swap3A_312 = arith.constant 0 : index
        %swap3A_313 = arith.constant 10 : index
        %swap3A_314 = vector.load %arg7[%swap3A_312, %swap3A_313] : memref<256x32xf32, #tpu.memory_space<vmem>>, vector<256x1xf32>
        tpu.vector_store %arg7[%swap3A_312, %swap3A_313], %min3A_311 {strides = array<i32>} : memref<256x32xf32, #tpu.memory_space<vmem>>, vector<256x1xf32>,
        %eq3A_315 = arith.constant 1.100000e+01 : f32
        %eq3A_316 = vector.broadcast %eq3A_315 : f32 to vector<256x256xf32>
        %eq3A_317 = arith.cmpf oeq, %select_n3A_131, %eq3A_316 : vector<256x256xf32>
        %jit3A_318 = arith.constant 8.192000e+03 : f32
        %broadcast_in_dim3A_319 = vector.broadcast %jit3A_318 : f32 to vector<256x256xf32>
        %select_n3A_320 = arith.select %eq3A_317, %add3A_138, %broadcast_in_dim3A_319 : vector<256x256xi1>, vector<256x256xf32>
        %reduce_min3A_321 = arith.constant dense<0x7F800000> : vector<256xf32>
        %reduce_min3A_322 = vector.multi_reduction <minimumf>, %select_n3A_320, %reduce_min3A_321 [1] : vector<256x256xf32> to vector<256xf32>
        %broadcast_in_dim3A_323 = vector.shape_cast %reduce_min3A_322 : vector<256xf32> to vector<256x1xf32>
        %get3A_324 = arith.constant 0 : index
        %get3A_325 = arith.constant 11 : index
        %get3A_326 = vector.load %arg7[%get3A_324, %get3A_325] : memref<256x32xf32, #tpu.memory_space<vmem>>, vector<256x1xf32>
        %min3A_327 = arith.minimumf %get3A_326, %broadcast_in_dim3A_323 : vector<256x1xf32>
        %swap3A_328 = arith.constant 0 : index
        %swap3A_329 = arith.constant 11 : index
        %swap3A_330 = vector.load %arg7[%swap3A_328, %swap3A_329] : memref<256x32xf32, #tpu.memory_space<vmem>>, vector<256x1xf32>
        tpu.vector_store %arg7[%swap3A_328, %swap3A_329], %min3A_327 {strides = array<i32>} : memref<256x32xf32, #tpu.memory_space<vmem>>, vector<256x1xf32>,
        %eq3A_331 = arith.constant 1.200000e+01 : f32
        %eq3A_332 = vector.broadcast %eq3A_331 : f32 to vector<256x256xf32>
        %eq3A_333 = arith.cmpf oeq, %select_n3A_131, %eq3A_332 : vector<256x256xf32>
        %jit3A_334 = arith.constant 8.192000e+03 : f32
        %broadcast_in_dim3A_335 = vector.broadcast %jit3A_334 : f32 to vector<256x256xf32>
        %select_n3A_336 = arith.select %eq3A_333, %add3A_138, %broadcast_in_dim3A_335 : vector<256x256xi1>, vector<256x256xf32>
        %reduce_min3A_337 = arith.constant dense<0x7F800000> : vector<256xf32>
        %reduce_min3A_338 = vector.multi_reduction <minimumf>, %select_n3A_336, %reduce_min3A_337 [1] : vector<256x256xf32> to vector<256xf32>
        %broadcast_in_dim3A_339 = vector.shape_cast %reduce_min3A_338 : vector<256xf32> to vector<256x1xf32>
        %get3A_340 = arith.constant 0 : index
        %get3A_341 = arith.constant 12 : index
        %get3A_342 = vector.load %arg7[%get3A_340, %get3A_341] : memref<256x32xf32, #tpu.memory_space<vmem>>, vector<256x1xf32>
        %min3A_343 = arith.minimumf %get3A_342, %broadcast_in_dim3A_339 : vector<256x1xf32>
        %swap3A_344 = arith.constant 0 : index
        %swap3A_345 = arith.constant 12 : index
        %swap3A_346 = vector.load %arg7[%swap3A_344, %swap3A_345] : memref<256x32xf32, #tpu.memory_space<vmem>>, vector<256x1xf32>
        tpu.vector_store %arg7[%swap3A_344, %swap3A_345], %min3A_343 {strides = array<i32>} : memref<256x32xf32, #tpu.memory_space<vmem>>, vector<256x1xf32>,
        %eq3A_347 = arith.constant 1.300000e+01 : f32
        %eq3A_348 = vector.broadcast %eq3A_347 : f32 to vector<256x256xf32>
        %eq3A_349 = arith.cmpf oeq, %select_n3A_131, %eq3A_348 : vector<256x256xf32>
        %jit3A_350 = arith.constant 8.192000e+03 : f32
        %broadcast_in_dim3A_351 = vector.broadcast %jit3A_350 : f32 to vector<256x256xf32>
        %select_n3A_352 = arith.select %eq3A_349, %add3A_138, %broadcast_in_dim3A_351 : vector<256x256xi1>, vector<256x256xf32>
        %reduce_min3A_353 = arith.constant dense<0x7F800000> : vector<256xf32>
        %reduce_min3A_354 = vector.multi_reduction <minimumf>, %select_n3A_352, %reduce_min3A_353 [1] : vector<256x256xf32> to vector<256xf32>
        %broadcast_in_dim3A_355 = vector.shape_cast %reduce_min3A_354 : vector<256xf32> to vector<256x1xf32>
        %get3A_356 = arith.constant 0 : index
        %get3A_357 = arith.constant 13 : index
        %get3A_358 = vector.load %arg7[%get3A_356, %get3A_357] : memref<256x32xf32, #tpu.memory_space<vmem>>, vector<256x1xf32>
        %min3A_359 = arith.minimumf %get3A_358, %broadcast_in_dim3A_355 : vector<256x1xf32>
        %swap3A_360 = arith.constant 0 : index
        %swap3A_361 = arith.constant 13 : index
        %swap3A_362 = vector.load %arg7[%swap3A_360, %swap3A_361] : memref<256x32xf32, #tpu.memory_space<vmem>>, vector<256x1xf32>
        tpu.vector_store %arg7[%swap3A_360, %swap3A_361], %min3A_359 {strides = array<i32>} : memref<256x32xf32, #tpu.memory_space<vmem>>, vector<256x1xf32>,
        %eq3A_363 = arith.constant 1.400000e+01 : f32
        %eq3A_364 = vector.broadcast %eq3A_363 : f32 to vector<256x256xf32>
        %eq3A_365 = arith.cmpf oeq, %select_n3A_131, %eq3A_364 : vector<256x256xf32>
        %jit3A_366 = arith.constant 8.192000e+03 : f32
        %broadcast_in_dim3A_367 = vector.broadcast %jit3A_366 : f32 to vector<256x256xf32>
        %select_n3A_368 = arith.select %eq3A_365, %add3A_138, %broadcast_in_dim3A_367 : vector<256x256xi1>, vector<256x256xf32>
        %reduce_min3A_369 = arith.constant dense<0x7F800000> : vector<256xf32>
        %reduce_min3A_370 = vector.multi_reduction <minimumf>, %select_n3A_368, %reduce_min3A_369 [1] : vector<256x256xf32> to vector<256xf32>
        %broadcast_in_dim3A_371 = vector.shape_cast %reduce_min3A_370 : vector<256xf32> to vector<256x1xf32>
        %get3A_372 = arith.constant 0 : index
        %get3A_373 = arith.constant 14 : index
        %get3A_374 = vector.load %arg7[%get3A_372, %get3A_373] : memref<256x32xf32, #tpu.memory_space<vmem>>, vector<256x1xf32>
        %min3A_375 = arith.minimumf %get3A_374, %broadcast_in_dim3A_371 : vector<256x1xf32>
        %swap3A_376 = arith.constant 0 : index
        %swap3A_377 = arith.constant 14 : index
        %swap3A_378 = vector.load %arg7[%swap3A_376, %swap3A_377] : memref<256x32xf32, #tpu.memory_space<vmem>>, vector<256x1xf32>
        tpu.vector_store %arg7[%swap3A_376, %swap3A_377], %min3A_375 {strides = array<i32>} : memref<256x32xf32, #tpu.memory_space<vmem>>, vector<256x1xf32>,
        %eq3A_379 = arith.constant 1.500000e+01 : f32
        %eq3A_380 = vector.broadcast %eq3A_379 : f32 to vector<256x256xf32>
        %eq3A_381 = arith.cmpf oeq, %select_n3A_131, %eq3A_380 : vector<256x256xf32>
        %jit3A_382 = arith.constant 8.192000e+03 : f32
        %broadcast_in_dim3A_383 = vector.broadcast %jit3A_382 : f32 to vector<256x256xf32>
        %select_n3A_384 = arith.select %eq3A_381, %add3A_138, %broadcast_in_dim3A_383 : vector<256x256xi1>, vector<256x256xf32>
        %reduce_min3A_385 = arith.constant dense<0x7F800000> : vector<256xf32>
        %reduce_min3A_386 = vector.multi_reduction <minimumf>, %select_n3A_384, %reduce_min3A_385 [1] : vector<256x256xf32> to vector<256xf32>
        %broadcast_in_dim3A_387 = vector.shape_cast %reduce_min3A_386 : vector<256xf32> to vector<256x1xf32>
        %get3A_388 = arith.constant 0 : index
        %get3A_389 = arith.constant 15 : index
        %get3A_390 = vector.load %arg7[%get3A_388, %get3A_389] : memref<256x32xf32, #tpu.memory_space<vmem>>, vector<256x1xf32>
        %min3A_391 = arith.minimumf %get3A_390, %broadcast_in_dim3A_387 : vector<256x1xf32>
        %swap3A_392 = arith.constant 0 : index
        %swap3A_393 = arith.constant 15 : index
        %swap3A_394 = vector.load %arg7[%swap3A_392, %swap3A_393] : memref<256x32xf32, #tpu.memory_space<vmem>>, vector<256x1xf32>
        tpu.vector_store %arg7[%swap3A_392, %swap3A_393], %min3A_391 {strides = array<i32>} : memref<256x32xf32, #tpu.memory_space<vmem>>, vector<256x1xf32>,
        %eq3A_395 = arith.constant 1.600000e+01 : f32
        %eq3A_396 = vector.broadcast %eq3A_395 : f32 to vector<256x256xf32>
        %eq3A_397 = arith.cmpf oeq, %select_n3A_131, %eq3A_396 : vector<256x256xf32>
        %jit3A_398 = arith.constant 8.192000e+03 : f32
        %broadcast_in_dim3A_399 = vector.broadcast %jit3A_398 : f32 to vector<256x256xf32>
        %select_n3A_400 = arith.select %eq3A_397, %add3A_138, %broadcast_in_dim3A_399 : vector<256x256xi1>, vector<256x256xf32>
        %reduce_min3A_401 = arith.constant dense<0x7F800000> : vector<256xf32>
        %reduce_min3A_402 = vector.multi_reduction <minimumf>, %select_n3A_400, %reduce_min3A_401 [1] : vector<256x256xf32> to vector<256xf32>
        %broadcast_in_dim3A_403 = vector.shape_cast %reduce_min3A_402 : vector<256xf32> to vector<256x1xf32>
        %get3A_404 = arith.constant 0 : index
        %get3A_405 = arith.constant 16 : index
        %get3A_406 = vector.load %arg7[%get3A_404, %get3A_405] : memref<256x32xf32, #tpu.memory_space<vmem>>, vector<256x1xf32>
        %min3A_407 = arith.minimumf %get3A_406, %broadcast_in_dim3A_403 : vector<256x1xf32>
        %swap3A_408 = arith.constant 0 : index
        %swap3A_409 = arith.constant 16 : index
        %swap3A_410 = vector.load %arg7[%swap3A_408, %swap3A_409] : memref<256x32xf32, #tpu.memory_space<vmem>>, vector<256x1xf32>
        tpu.vector_store %arg7[%swap3A_408, %swap3A_409], %min3A_407 {strides = array<i32>} : memref<256x32xf32, #tpu.memory_space<vmem>>, vector<256x1xf32>,
        %eq3A_411 = arith.constant 1.700000e+01 : f32
        %eq3A_412 = vector.broadcast %eq3A_411 : f32 to vector<256x256xf32>
        %eq3A_413 = arith.cmpf oeq, %select_n3A_131, %eq3A_412 : vector<256x256xf32>
        %jit3A_414 = arith.constant 8.192000e+03 : f32
        %broadcast_in_dim3A_415 = vector.broadcast %jit3A_414 : f32 to vector<256x256xf32>
        %select_n3A_416 = arith.select %eq3A_413, %add3A_138, %broadcast_in_dim3A_415 : vector<256x256xi1>, vector<256x256xf32>
        %reduce_min3A_417 = arith.constant dense<0x7F800000> : vector<256xf32>
        %reduce_min3A_418 = vector.multi_reduction <minimumf>, %select_n3A_416, %reduce_min3A_417 [1] : vector<256x256xf32> to vector<256xf32>
        %broadcast_in_dim3A_419 = vector.shape_cast %reduce_min3A_418 : vector<256xf32> to vector<256x1xf32>
        %get3A_420 = arith.constant 0 : index
        %get3A_421 = arith.constant 17 : index
        %get3A_422 = vector.load %arg7[%get3A_420, %get3A_421] : memref<256x32xf32, #tpu.memory_space<vmem>>, vector<256x1xf32>
        %min3A_423 = arith.minimumf %get3A_422, %broadcast_in_dim3A_419 : vector<256x1xf32>
        %swap3A_424 = arith.constant 0 : index
        %swap3A_425 = arith.constant 17 : index
        %swap3A_426 = vector.load %arg7[%swap3A_424, %swap3A_425] : memref<256x32xf32, #tpu.memory_space<vmem>>, vector<256x1xf32>
        tpu.vector_store %arg7[%swap3A_424, %swap3A_425], %min3A_423 {strides = array<i32>} : memref<256x32xf32, #tpu.memory_space<vmem>>, vector<256x1xf32>,
        %eq3A_427 = arith.constant 1.800000e+01 : f32
        %eq3A_428 = vector.broadcast %eq3A_427 : f32 to vector<256x256xf32>
        %eq3A_429 = arith.cmpf oeq, %select_n3A_131, %eq3A_428 : vector<256x256xf32>
        %jit3A_430 = arith.constant 8.192000e+03 : f32
        %broadcast_in_dim3A_431 = vector.broadcast %jit3A_430 : f32 to vector<256x256xf32>
        %select_n3A_432 = arith.select %eq3A_429, %add3A_138, %broadcast_in_dim3A_431 : vector<256x256xi1>, vector<256x256xf32>
        %reduce_min3A_433 = arith.constant dense<0x7F800000> : vector<256xf32>
        %reduce_min3A_434 = vector.multi_reduction <minimumf>, %select_n3A_432, %reduce_min3A_433 [1] : vector<256x256xf32> to vector<256xf32>
        %broadcast_in_dim3A_435 = vector.shape_cast %reduce_min3A_434 : vector<256xf32> to vector<256x1xf32>
        %get3A_436 = arith.constant 0 : index
        %get3A_437 = arith.constant 18 : index
        %get3A_438 = vector.load %arg7[%get3A_436, %get3A_437] : memref<256x32xf32, #tpu.memory_space<vmem>>, vector<256x1xf32>
        %min3A_439 = arith.minimumf %get3A_438, %broadcast_in_dim3A_435 : vector<256x1xf32>
        %swap3A_440 = arith.constant 0 : index
        %swap3A_441 = arith.constant 18 : index
        %swap3A_442 = vector.load %arg7[%swap3A_440, %swap3A_441] : memref<256x32xf32, #tpu.memory_space<vmem>>, vector<256x1xf32>
        tpu.vector_store %arg7[%swap3A_440, %swap3A_441], %min3A_439 {strides = array<i32>} : memref<256x32xf32, #tpu.memory_space<vmem>>, vector<256x1xf32>,
        %eq3A_443 = arith.constant 1.900000e+01 : f32
        %eq3A_444 = vector.broadcast %eq3A_443 : f32 to vector<256x256xf32>
        %eq3A_445 = arith.cmpf oeq, %select_n3A_131, %eq3A_444 : vector<256x256xf32>
        %jit3A_446 = arith.constant 8.192000e+03 : f32
        %broadcast_in_dim3A_447 = vector.broadcast %jit3A_446 : f32 to vector<256x256xf32>
        %select_n3A_448 = arith.select %eq3A_445, %add3A_138, %broadcast_in_dim3A_447 : vector<256x256xi1>, vector<256x256xf32>
        %reduce_min3A_449 = arith.constant dense<0x7F800000> : vector<256xf32>
        %reduce_min3A_450 = vector.multi_reduction <minimumf>, %select_n3A_448, %reduce_min3A_449 [1] : vector<256x256xf32> to vector<256xf32>
        %broadcast_in_dim3A_451 = vector.shape_cast %reduce_min3A_450 : vector<256xf32> to vector<256x1xf32>
        %get3A_452 = arith.constant 0 : index
        %get3A_453 = arith.constant 19 : index
        %get3A_454 = vector.load %arg7[%get3A_452, %get3A_453] : memref<256x32xf32, #tpu.memory_space<vmem>>, vector<256x1xf32>
        %min3A_455 = arith.minimumf %get3A_454, %broadcast_in_dim3A_451 : vector<256x1xf32>
        %swap3A_456 = arith.constant 0 : index
        %swap3A_457 = arith.constant 19 : index
        %swap3A_458 = vector.load %arg7[%swap3A_456, %swap3A_457] : memref<256x32xf32, #tpu.memory_space<vmem>>, vector<256x1xf32>
        tpu.vector_store %arg7[%swap3A_456, %swap3A_457], %min3A_455 {strides = array<i32>} : memref<256x32xf32, #tpu.memory_space<vmem>>, vector<256x1xf32>,
        %eq3A_459 = arith.constant 2.000000e+01 : f32
        %eq3A_460 = vector.broadcast %eq3A_459 : f32 to vector<256x256xf32>
        %eq3A_461 = arith.cmpf oeq, %select_n3A_131, %eq3A_460 : vector<256x256xf32>
        %jit3A_462 = arith.constant 8.192000e+03 : f32
        %broadcast_in_dim3A_463 = vector.broadcast %jit3A_462 : f32 to vector<256x256xf32>
        %select_n3A_464 = arith.select %eq3A_461, %add3A_138, %broadcast_in_dim3A_463 : vector<256x256xi1>, vector<256x256xf32>
        %reduce_min3A_465 = arith.constant dense<0x7F800000> : vector<256xf32>
        %reduce_min3A_466 = vector.multi_reduction <minimumf>, %select_n3A_464, %reduce_min3A_465 [1] : vector<256x256xf32> to vector<256xf32>
        %broadcast_in_dim3A_467 = vector.shape_cast %reduce_min3A_466 : vector<256xf32> to vector<256x1xf32>
        %get3A_468 = arith.constant 0 : index
        %get3A_469 = arith.constant 20 : index
        %get3A_470 = vector.load %arg7[%get3A_468, %get3A_469] : memref<256x32xf32, #tpu.memory_space<vmem>>, vector<256x1xf32>
        %min3A_471 = arith.minimumf %get3A_470, %broadcast_in_dim3A_467 : vector<256x1xf32>
        %swap3A_472 = arith.constant 0 : index
        %swap3A_473 = arith.constant 20 : index
        %swap3A_474 = vector.load %arg7[%swap3A_472, %swap3A_473] : memref<256x32xf32, #tpu.memory_space<vmem>>, vector<256x1xf32>
        tpu.vector_store %arg7[%swap3A_472, %swap3A_473], %min3A_471 {strides = array<i32>} : memref<256x32xf32, #tpu.memory_space<vmem>>, vector<256x1xf32>,
        %eq3A_475 = arith.constant 2.100000e+01 : f32
        %eq3A_476 = vector.broadcast %eq3A_475 : f32 to vector<256x256xf32>
        %eq3A_477 = arith.cmpf oeq, %select_n3A_131, %eq3A_476 : vector<256x256xf32>
        %jit3A_478 = arith.constant 8.192000e+03 : f32
        %broadcast_in_dim3A_479 = vector.broadcast %jit3A_478 : f32 to vector<256x256xf32>
        %select_n3A_480 = arith.select %eq3A_477, %add3A_138, %broadcast_in_dim3A_479 : vector<256x256xi1>, vector<256x256xf32>
        %reduce_min3A_481 = arith.constant dense<0x7F800000> : vector<256xf32>
        %reduce_min3A_482 = vector.multi_reduction <minimumf>, %select_n3A_480, %reduce_min3A_481 [1] : vector<256x256xf32> to vector<256xf32>
        %broadcast_in_dim3A_483 = vector.shape_cast %reduce_min3A_482 : vector<256xf32> to vector<256x1xf32>
        %get3A_484 = arith.constant 0 : index
        %get3A_485 = arith.constant 21 : index
        %get3A_486 = vector.load %arg7[%get3A_484, %get3A_485] : memref<256x32xf32, #tpu.memory_space<vmem>>, vector<256x1xf32>
        %min3A_487 = arith.minimumf %get3A_486, %broadcast_in_dim3A_483 : vector<256x1xf32>
        %swap3A_488 = arith.constant 0 : index
        %swap3A_489 = arith.constant 21 : index
        %swap3A_490 = vector.load %arg7[%swap3A_488, %swap3A_489] : memref<256x32xf32, #tpu.memory_space<vmem>>, vector<256x1xf32>
        tpu.vector_store %arg7[%swap3A_488, %swap3A_489], %min3A_487 {strides = array<i32>} : memref<256x32xf32, #tpu.memory_space<vmem>>, vector<256x1xf32>,
        %eq3A_491 = arith.constant 2.200000e+01 : f32
        %eq3A_492 = vector.broadcast %eq3A_491 : f32 to vector<256x256xf32>
        %eq3A_493 = arith.cmpf oeq, %select_n3A_131, %eq3A_492 : vector<256x256xf32>
        %jit3A_494 = arith.constant 8.192000e+03 : f32
        %broadcast_in_dim3A_495 = vector.broadcast %jit3A_494 : f32 to vector<256x256xf32>
        %select_n3A_496 = arith.select %eq3A_493, %add3A_138, %broadcast_in_dim3A_495 : vector<256x256xi1>, vector<256x256xf32>
        %reduce_min3A_497 = arith.constant dense<0x7F800000> : vector<256xf32>
        %reduce_min3A_498 = vector.multi_reduction <minimumf>, %select_n3A_496, %reduce_min3A_497 [1] : vector<256x256xf32> to vector<256xf32>
        %broadcast_in_dim3A_499 = vector.shape_cast %reduce_min3A_498 : vector<256xf32> to vector<256x1xf32>
        %get3A_500 = arith.constant 0 : index
        %get3A_501 = arith.constant 22 : index
        %get3A_502 = vector.load %arg7[%get3A_500, %get3A_501] : memref<256x32xf32, #tpu.memory_space<vmem>>, vector<256x1xf32>
        %min3A_503 = arith.minimumf %get3A_502, %broadcast_in_dim3A_499 : vector<256x1xf32>
        %swap3A_504 = arith.constant 0 : index
        %swap3A_505 = arith.constant 22 : index
        %swap3A_506 = vector.load %arg7[%swap3A_504, %swap3A_505] : memref<256x32xf32, #tpu.memory_space<vmem>>, vector<256x1xf32>
        tpu.vector_store %arg7[%swap3A_504, %swap3A_505], %min3A_503 {strides = array<i32>} : memref<256x32xf32, #tpu.memory_space<vmem>>, vector<256x1xf32>,
        %eq3A_507 = arith.constant 2.300000e+01 : f32
        %eq3A_508 = vector.broadcast %eq3A_507 : f32 to vector<256x256xf32>
        %eq3A_509 = arith.cmpf oeq, %select_n3A_131, %eq3A_508 : vector<256x256xf32>
        %jit3A_510 = arith.constant 8.192000e+03 : f32
        %broadcast_in_dim3A_511 = vector.broadcast %jit3A_510 : f32 to vector<256x256xf32>
        %select_n3A_512 = arith.select %eq3A_509, %add3A_138, %broadcast_in_dim3A_511 : vector<256x256xi1>, vector<256x256xf32>
        %reduce_min3A_513 = arith.constant dense<0x7F800000> : vector<256xf32>
        %reduce_min3A_514 = vector.multi_reduction <minimumf>, %select_n3A_512, %reduce_min3A_513 [1] : vector<256x256xf32> to vector<256xf32>
        %broadcast_in_dim3A_515 = vector.shape_cast %reduce_min3A_514 : vector<256xf32> to vector<256x1xf32>
        %get3A_516 = arith.constant 0 : index
        %get3A_517 = arith.constant 23 : index
        %get3A_518 = vector.load %arg7[%get3A_516, %get3A_517] : memref<256x32xf32, #tpu.memory_space<vmem>>, vector<256x1xf32>
        %min3A_519 = arith.minimumf %get3A_518, %broadcast_in_dim3A_515 : vector<256x1xf32>
        %swap3A_520 = arith.constant 0 : index
        %swap3A_521 = arith.constant 23 : index
        %swap3A_522 = vector.load %arg7[%swap3A_520, %swap3A_521] : memref<256x32xf32, #tpu.memory_space<vmem>>, vector<256x1xf32>
        tpu.vector_store %arg7[%swap3A_520, %swap3A_521], %min3A_519 {strides = array<i32>} : memref<256x32xf32, #tpu.memory_space<vmem>>, vector<256x1xf32>,
        %eq3A_523 = arith.constant 2.400000e+01 : f32
        %eq3A_524 = vector.broadcast %eq3A_523 : f32 to vector<256x256xf32>
        %eq3A_525 = arith.cmpf oeq, %select_n3A_131, %eq3A_524 : vector<256x256xf32>
        %jit3A_526 = arith.constant 8.192000e+03 : f32
        %broadcast_in_dim3A_527 = vector.broadcast %jit3A_526 : f32 to vector<256x256xf32>
        %select_n3A_528 = arith.select %eq3A_525, %add3A_138, %broadcast_in_dim3A_527 : vector<256x256xi1>, vector<256x256xf32>
        %reduce_min3A_529 = arith.constant dense<0x7F800000> : vector<256xf32>
        %reduce_min3A_530 = vector.multi_reduction <minimumf>, %select_n3A_528, %reduce_min3A_529 [1] : vector<256x256xf32> to vector<256xf32>
        %broadcast_in_dim3A_531 = vector.shape_cast %reduce_min3A_530 : vector<256xf32> to vector<256x1xf32>
        %get3A_532 = arith.constant 0 : index
        %get3A_533 = arith.constant 24 : index
        %get3A_534 = vector.load %arg7[%get3A_532, %get3A_533] : memref<256x32xf32, #tpu.memory_space<vmem>>, vector<256x1xf32>
        %min3A_535 = arith.minimumf %get3A_534, %broadcast_in_dim3A_531 : vector<256x1xf32>
        %swap3A_536 = arith.constant 0 : index
        %swap3A_537 = arith.constant 24 : index
        %swap3A_538 = vector.load %arg7[%swap3A_536, %swap3A_537] : memref<256x32xf32, #tpu.memory_space<vmem>>, vector<256x1xf32>
        tpu.vector_store %arg7[%swap3A_536, %swap3A_537], %min3A_535 {strides = array<i32>} : memref<256x32xf32, #tpu.memory_space<vmem>>, vector<256x1xf32>,
        %eq3A_539 = arith.constant 2.500000e+01 : f32
        %eq3A_540 = vector.broadcast %eq3A_539 : f32 to vector<256x256xf32>
        %eq3A_541 = arith.cmpf oeq, %select_n3A_131, %eq3A_540 : vector<256x256xf32>
        %jit3A_542 = arith.constant 8.192000e+03 : f32
        %broadcast_in_dim3A_543 = vector.broadcast %jit3A_542 : f32 to vector<256x256xf32>
        %select_n3A_544 = arith.select %eq3A_541, %add3A_138, %broadcast_in_dim3A_543 : vector<256x256xi1>, vector<256x256xf32>
        %reduce_min3A_545 = arith.constant dense<0x7F800000> : vector<256xf32>
        %reduce_min3A_546 = vector.multi_reduction <minimumf>, %select_n3A_544, %reduce_min3A_545 [1] : vector<256x256xf32> to vector<256xf32>
        %broadcast_in_dim3A_547 = vector.shape_cast %reduce_min3A_546 : vector<256xf32> to vector<256x1xf32>
        %get3A_548 = arith.constant 0 : index
        %get3A_549 = arith.constant 25 : index
        %get3A_550 = vector.load %arg7[%get3A_548, %get3A_549] : memref<256x32xf32, #tpu.memory_space<vmem>>, vector<256x1xf32>
        %min3A_551 = arith.minimumf %get3A_550, %broadcast_in_dim3A_547 : vector<256x1xf32>
        %swap3A_552 = arith.constant 0 : index
        %swap3A_553 = arith.constant 25 : index
        %swap3A_554 = vector.load %arg7[%swap3A_552, %swap3A_553] : memref<256x32xf32, #tpu.memory_space<vmem>>, vector<256x1xf32>
        tpu.vector_store %arg7[%swap3A_552, %swap3A_553], %min3A_551 {strides = array<i32>} : memref<256x32xf32, #tpu.memory_space<vmem>>, vector<256x1xf32>,
        %eq3A_555 = arith.constant 2.600000e+01 : f32
        %eq3A_556 = vector.broadcast %eq3A_555 : f32 to vector<256x256xf32>
        %eq3A_557 = arith.cmpf oeq, %select_n3A_131, %eq3A_556 : vector<256x256xf32>
        %jit3A_558 = arith.constant 8.192000e+03 : f32
        %broadcast_in_dim3A_559 = vector.broadcast %jit3A_558 : f32 to vector<256x256xf32>
        %select_n3A_560 = arith.select %eq3A_557, %add3A_138, %broadcast_in_dim3A_559 : vector<256x256xi1>, vector<256x256xf32>
        %reduce_min3A_561 = arith.constant dense<0x7F800000> : vector<256xf32>
        %reduce_min3A_562 = vector.multi_reduction <minimumf>, %select_n3A_560, %reduce_min3A_561 [1] : vector<256x256xf32> to vector<256xf32>
        %broadcast_in_dim3A_563 = vector.shape_cast %reduce_min3A_562 : vector<256xf32> to vector<256x1xf32>
        %get3A_564 = arith.constant 0 : index
        %get3A_565 = arith.constant 26 : index
        %get3A_566 = vector.load %arg7[%get3A_564, %get3A_565] : memref<256x32xf32, #tpu.memory_space<vmem>>, vector<256x1xf32>
        %min3A_567 = arith.minimumf %get3A_566, %broadcast_in_dim3A_563 : vector<256x1xf32>
        %swap3A_568 = arith.constant 0 : index
        %swap3A_569 = arith.constant 26 : index
        %swap3A_570 = vector.load %arg7[%swap3A_568, %swap3A_569] : memref<256x32xf32, #tpu.memory_space<vmem>>, vector<256x1xf32>
        tpu.vector_store %arg7[%swap3A_568, %swap3A_569], %min3A_567 {strides = array<i32>} : memref<256x32xf32, #tpu.memory_space<vmem>>, vector<256x1xf32>,
        %eq3A_571 = arith.constant 2.700000e+01 : f32
        %eq3A_572 = vector.broadcast %eq3A_571 : f32 to vector<256x256xf32>
        %eq3A_573 = arith.cmpf oeq, %select_n3A_131, %eq3A_572 : vector<256x256xf32>
        %jit3A_574 = arith.constant 8.192000e+03 : f32
        %broadcast_in_dim3A_575 = vector.broadcast %jit3A_574 : f32 to vector<256x256xf32>
        %select_n3A_576 = arith.select %eq3A_573, %add3A_138, %broadcast_in_dim3A_575 : vector<256x256xi1>, vector<256x256xf32>
        %reduce_min3A_577 = arith.constant dense<0x7F800000> : vector<256xf32>
        %reduce_min3A_578 = vector.multi_reduction <minimumf>, %select_n3A_576, %reduce_min3A_577 [1] : vector<256x256xf32> to vector<256xf32>
        %broadcast_in_dim3A_579 = vector.shape_cast %reduce_min3A_578 : vector<256xf32> to vector<256x1xf32>
        %get3A_580 = arith.constant 0 : index
        %get3A_581 = arith.constant 27 : index
        %get3A_582 = vector.load %arg7[%get3A_580, %get3A_581] : memref<256x32xf32, #tpu.memory_space<vmem>>, vector<256x1xf32>
        %min3A_583 = arith.minimumf %get3A_582, %broadcast_in_dim3A_579 : vector<256x1xf32>
        %swap3A_584 = arith.constant 0 : index
        %swap3A_585 = arith.constant 27 : index
        %swap3A_586 = vector.load %arg7[%swap3A_584, %swap3A_585] : memref<256x32xf32, #tpu.memory_space<vmem>>, vector<256x1xf32>
        tpu.vector_store %arg7[%swap3A_584, %swap3A_585], %min3A_583 {strides = array<i32>} : memref<256x32xf32, #tpu.memory_space<vmem>>, vector<256x1xf32>,
        %eq3A_587 = arith.constant 2.800000e+01 : f32
        %eq3A_588 = vector.broadcast %eq3A_587 : f32 to vector<256x256xf32>
        %eq3A_589 = arith.cmpf oeq, %select_n3A_131, %eq3A_588 : vector<256x256xf32>
        %jit3A_590 = arith.constant 8.192000e+03 : f32
        %broadcast_in_dim3A_591 = vector.broadcast %jit3A_590 : f32 to vector<256x256xf32>
        %select_n3A_592 = arith.select %eq3A_589, %add3A_138, %broadcast_in_dim3A_591 : vector<256x256xi1>, vector<256x256xf32>
        %reduce_min3A_593 = arith.constant dense<0x7F800000> : vector<256xf32>
        %reduce_min3A_594 = vector.multi_reduction <minimumf>, %select_n3A_592, %reduce_min3A_593 [1] : vector<256x256xf32> to vector<256xf32>
        %broadcast_in_dim3A_595 = vector.shape_cast %reduce_min3A_594 : vector<256xf32> to vector<256x1xf32>
        %get3A_596 = arith.constant 0 : index
        %get3A_597 = arith.constant 28 : index
        %get3A_598 = vector.load %arg7[%get3A_596, %get3A_597] : memref<256x32xf32, #tpu.memory_space<vmem>>, vector<256x1xf32>
        %min3A_599 = arith.minimumf %get3A_598, %broadcast_in_dim3A_595 : vector<256x1xf32>
        %swap3A_600 = arith.constant 0 : index
        %swap3A_601 = arith.constant 28 : index
        %swap3A_602 = vector.load %arg7[%swap3A_600, %swap3A_601] : memref<256x32xf32, #tpu.memory_space<vmem>>, vector<256x1xf32>
        tpu.vector_store %arg7[%swap3A_600, %swap3A_601], %min3A_599 {strides = array<i32>} : memref<256x32xf32, #tpu.memory_space<vmem>>, vector<256x1xf32>,
        %eq3A_603 = arith.constant 2.900000e+01 : f32
        %eq3A_604 = vector.broadcast %eq3A_603 : f32 to vector<256x256xf32>
        %eq3A_605 = arith.cmpf oeq, %select_n3A_131, %eq3A_604 : vector<256x256xf32>
        %jit3A_606 = arith.constant 8.192000e+03 : f32
        %broadcast_in_dim3A_607 = vector.broadcast %jit3A_606 : f32 to vector<256x256xf32>
        %select_n3A_608 = arith.select %eq3A_605, %add3A_138, %broadcast_in_dim3A_607 : vector<256x256xi1>, vector<256x256xf32>
        %reduce_min3A_609 = arith.constant dense<0x7F800000> : vector<256xf32>
        %reduce_min3A_610 = vector.multi_reduction <minimumf>, %select_n3A_608, %reduce_min3A_609 [1] : vector<256x256xf32> to vector<256xf32>
        %broadcast_in_dim3A_611 = vector.shape_cast %reduce_min3A_610 : vector<256xf32> to vector<256x1xf32>
        %get3A_612 = arith.constant 0 : index
        %get3A_613 = arith.constant 29 : index
        %get3A_614 = vector.load %arg7[%get3A_612, %get3A_613] : memref<256x32xf32, #tpu.memory_space<vmem>>, vector<256x1xf32>
        %min3A_615 = arith.minimumf %get3A_614, %broadcast_in_dim3A_611 : vector<256x1xf32>
        %swap3A_616 = arith.constant 0 : index
        %swap3A_617 = arith.constant 29 : index
        %swap3A_618 = vector.load %arg7[%swap3A_616, %swap3A_617] : memref<256x32xf32, #tpu.memory_space<vmem>>, vector<256x1xf32>
        tpu.vector_store %arg7[%swap3A_616, %swap3A_617], %min3A_615 {strides = array<i32>} : memref<256x32xf32, #tpu.memory_space<vmem>>, vector<256x1xf32>,
        %eq3A_619 = arith.constant 3.000000e+01 : f32
        %eq3A_620 = vector.broadcast %eq3A_619 : f32 to vector<256x256xf32>
        %eq3A_621 = arith.cmpf oeq, %select_n3A_131, %eq3A_620 : vector<256x256xf32>
        %jit3A_622 = arith.constant 8.192000e+03 : f32
        %broadcast_in_dim3A_623 = vector.broadcast %jit3A_622 : f32 to vector<256x256xf32>
        %select_n3A_624 = arith.select %eq3A_621, %add3A_138, %broadcast_in_dim3A_623 : vector<256x256xi1>, vector<256x256xf32>
        %reduce_min3A_625 = arith.constant dense<0x7F800000> : vector<256xf32>
        %reduce_min3A_626 = vector.multi_reduction <minimumf>, %select_n3A_624, %reduce_min3A_625 [1] : vector<256x256xf32> to vector<256xf32>
        %broadcast_in_dim3A_627 = vector.shape_cast %reduce_min3A_626 : vector<256xf32> to vector<256x1xf32>
        %get3A_628 = arith.constant 0 : index
        %get3A_629 = arith.constant 30 : index
        %get3A_630 = vector.load %arg7[%get3A_628, %get3A_629] : memref<256x32xf32, #tpu.memory_space<vmem>>, vector<256x1xf32>
        %min3A_631 = arith.minimumf %get3A_630, %broadcast_in_dim3A_627 : vector<256x1xf32>
        %swap3A_632 = arith.constant 0 : index
        %swap3A_633 = arith.constant 30 : index
        %swap3A_634 = vector.load %arg7[%swap3A_632, %swap3A_633] : memref<256x32xf32, #tpu.memory_space<vmem>>, vector<256x1xf32>
        tpu.vector_store %arg7[%swap3A_632, %swap3A_633], %min3A_631 {strides = array<i32>} : memref<256x32xf32, #tpu.memory_space<vmem>>, vector<256x1xf32>,
        %eq3A_635 = arith.constant 3.100000e+01 : f32
        %eq3A_636 = vector.broadcast %eq3A_635 : f32 to vector<256x256xf32>
        %eq3A_637 = arith.cmpf oeq, %select_n3A_131, %eq3A_636 : vector<256x256xf32>
        %jit3A_638 = arith.constant 8.192000e+03 : f32
        %broadcast_in_dim3A_639 = vector.broadcast %jit3A_638 : f32 to vector<256x256xf32>
        %select_n3A_640 = arith.select %eq3A_637, %add3A_138, %broadcast_in_dim3A_639 : vector<256x256xi1>, vector<256x256xf32>
        %reduce_min3A_641 = arith.constant dense<0x7F800000> : vector<256xf32>
        %reduce_min3A_642 = vector.multi_reduction <minimumf>, %select_n3A_640, %reduce_min3A_641 [1] : vector<256x256xf32> to vector<256xf32>
        %broadcast_in_dim3A_643 = vector.shape_cast %reduce_min3A_642 : vector<256xf32> to vector<256x1xf32>
        %get3A_644 = arith.constant 0 : index
        %get3A_645 = arith.constant 31 : index
        %get3A_646 = vector.load %arg7[%get3A_644, %get3A_645] : memref<256x32xf32, #tpu.memory_space<vmem>>, vector<256x1xf32>
        %min3A_647 = arith.minimumf %get3A_646, %broadcast_in_dim3A_643 : vector<256x1xf32>
        %swap3A_648 = arith.constant 0 : index
        %swap3A_649 = arith.constant 31 : index
        %swap3A_650 = vector.load %arg7[%swap3A_648, %swap3A_649] : memref<256x32xf32, #tpu.memory_space<vmem>>, vector<256x1xf32>
        tpu.vector_store %arg7[%swap3A_648, %swap3A_649], %min3A_647 {strides = array<i32>} : memref<256x32xf32, #tpu.memory_space<vmem>>, vector<256x1xf32>,
        %get3A_651 = arith.constant 0 : index
        %get3A_652 = arith.constant 0 : index
        %get3A_653 = vector.load %arg6[%get3A_651, %get3A_652] : memref<256x1xf32, #tpu.memory_space<vmem>>, vector<256x1xf32>
        %reduce_sum3A = arith.constant dense<0.000000e+00> : vector<256xf32>
        %reduce_sum3A_654 = vector.multi_reduction <add>, %convert_element_type3A_113, %reduce_sum3A [1] : vector<256x256xf32> to vector<256xf32>
        %broadcast_in_dim3A_655 = vector.shape_cast %reduce_sum3A_654 : vector<256xf32> to vector<256x1xf32>
        %add3A_656 = arith.addf %get3A_653, %broadcast_in_dim3A_655 : vector<256x1xf32>
        %swap3A_657 = arith.constant 0 : index
        %swap3A_658 = arith.constant 0 : index
        %swap3A_659 = vector.load %arg6[%swap3A_657, %swap3A_658] : memref<256x1xf32, #tpu.memory_space<vmem>>, vector<256x1xf32>
        tpu.vector_store %arg6[%swap3A_657, %swap3A_658], %add3A_656 {strides = array<i32>} : memref<256x1xf32, #tpu.memory_space<vmem>>, vector<256x1xf32>,
      } else {
      }
    }
    %scan3A_23 = arith.constant 32 : i32
    %get3A_24 = arith.constant 0 : index
    %get3A_25 = arith.constant 0 : index
    %get3A_26 = vector.load %arg7[%get3A_24, %get3A_25] : memref<256x32xf32, #tpu.memory_space<vmem>>, vector<256x32xf32>
    %slice3A_27 = vector.extract_strided_slice %get3A_26 {offsets = [0, 0], sizes = [256, 1], strides = [1, 1]} : vector<256x32xf32> to vector<256x1xf32>
    %eq3A = arith.constant 8.192000e+03 : f32
    %eq3A_28 = vector.broadcast %eq3A : f32 to vector<256x32xf32>
    %eq3A_29 = arith.cmpf oeq, %get3A_26, %eq3A_28 : vector<256x32xf32>
    %broadcast_in_dim3A_30 = vector.shape_cast %slice3A_27 : vector<256x1xf32> to vector<256x1xf32>
    %broadcast_in_dim3A_31 = vector.broadcast %broadcast_in_dim3A_30 : vector<256x1xf32> to vector<256x32xf32>
    %select_n3A = arith.select %eq3A_29, %broadcast_in_dim3A_31, %get3A_26 : vector<256x32xi1>, vector<256x32xf32>
    %convert_element_type3A_32 = arith.fptosi %select_n3A : vector<256x32xf32> to vector<256x32xi32>
    %swap3A_33 = arith.constant 0 : index
    %swap3A_34 = arith.constant 0 : index
    %swap3A_35 = arith.constant 0 : index
    %swap3A_36 = vector.load %arg4[%swap3A_33, %swap3A_34, %swap3A_35] : memref<1x256x32xi32, #tpu.memory_space<vmem>>, vector<1x256x32xi32>
    %swap3A_37 = vector.shape_cast %swap3A_36 : vector<1x256x32xi32> to vector<256x32xi32>
    %swap3A_38 = vector.shape_cast %convert_element_type3A_32 : vector<256x32xi32> to vector<1x256x32xi32>
    tpu.vector_store %arg4[%swap3A_33, %swap3A_34, %swap3A_35], %swap3A_38 {strides = array<i32>} : memref<1x256x32xi32, #tpu.memory_space<vmem>>, vector<1x256x32xi32>,
    %min3A = arith.constant 8.191000e+03 : f32
    %min3A_39 = vector.broadcast %min3A : f32 to vector<256x32xf32>
    %min3A_40 = arith.minimumf %select_n3A, %min3A_39 : vector<256x32xf32>
    %convert_element_type3A_41 = arith.sitofp %arg0 : i32 to f32
    %mul3A_42 = arith.constant 8.192000e+03 : f32
    %mul3A_43 = arith.mulf %mul3A_42, %convert_element_type3A_41 : f32
    %add3A_44 = vector.broadcast %mul3A_43 : f32 to vector<256x32xf32>
    %add3A_45 = arith.addf %min3A_40, %add3A_44 : vector<256x32xf32>
    %convert_element_type3A_46 = arith.fptosi %add3A_45 : vector<256x32xf32> to vector<256x32xi32>
    %swap3A_47 = arith.constant 0 : index
    %swap3A_48 = arith.constant 0 : index
    %swap3A_49 = arith.constant 0 : index
    %swap3A_50 = vector.load %arg5[%swap3A_47, %swap3A_48, %swap3A_49] : memref<1x256x32xi32, #tpu.memory_space<vmem>>, vector<1x256x32xi32>
    %swap3A_51 = vector.shape_cast %swap3A_50 : vector<1x256x32xi32> to vector<256x32xi32>
    %swap3A_52 = vector.shape_cast %convert_element_type3A_46 : vector<256x32xi32> to vector<1x256x32xi32>
    tpu.vector_store %arg5[%swap3A_47, %swap3A_48, %swap3A_49], %swap3A_52 {strides = array<i32>} : memref<1x256x32xi32, #tpu.memory_space<vmem>>, vector<1x256x32xi32>,
    return
  }
  func.func @transform_0(%arg0: i32, %arg1: i32) -> (i32, i32, i32) {
    %c0_i32 = arith.constant 0 : i32
    %c0_i32_0 = arith.constant 0 : i32
    return %arg0, %arg1, %c0_i32 : i32, i32, i32
  }
  func.func @transform_1(%arg0: i32, %arg1: i32) -> (i32, i32, i32) {
    %c0_i32 = arith.constant 0 : i32
    %c0_i32_0 = arith.constant 0 : i32
    %c0_i32_1 = arith.constant 0 : i32
    return %arg0, %c0_i32, %c0_i32_0 : i32, i32, i32
  }
  func.func @transform_2(%arg0: i32, %arg1: i32) -> (i32, i32, i32) {
    %c0_i32 = arith.constant 0 : i32
    %c0_i32_0 = arith.constant 0 : i32
    return %arg0, %arg1, %c0_i32 : i32, i32, i32
  }
  func.func @transform_3(%arg0: i32, %arg1: i32) -> (i32, i32, i32) {
    %c0_i32 = arith.constant 0 : i32
    %c0_i32_0 = arith.constant 0 : i32
    return %arg0, %arg1, %c0_i32 : i32, i32, i32
  }
}

module attributes {stable_mosaic.version = 14 : i64} {
  func.func @_mlp_body(%arg0: i32, %arg1: memref<1024x128xf32, #tpu.memory_space<vmem>>, %arg2: memref<1024x3xf32, #tpu.memory_space<vmem>>, %arg3: memref<64x128xf32, #tpu.memory_space<vmem>>, %arg4: memref<3x128xf32, #tpu.memory_space<vmem>>, %arg5: memref<24x128xf32, #tpu.memory_space<vmem>>, %arg6: memref<1x128xf32, #tpu.memory_space<vmem>>, %arg7: memref<1x128xf32, #tpu.memory_space<vmem>>, %arg8: memref<1x128xf32, #tpu.memory_space<vmem>>, %arg9: memref<128x128xf32, #tpu.memory_space<vmem>>, %arg10: memref<1x128xf32, #tpu.memory_space<vmem>>, %arg11: memref<1x128xf32, #tpu.memory_space<vmem>>, %arg12: memref<1x128xf32, #tpu.memory_space<vmem>>, %arg13: memref<32x128xf32, #tpu.memory_space<vmem>>) attributes {dimension_semantics = [#tpu.dimension_semantics<arbitrary>], iteration_bounds = array<i64: 128>, scalar_prefetch = 0 : i64, scratch_operands = 0 : i64, tpu.core_type = #tpu.core_type<tc>, window_params = [{transform_indices = @transform_0, window_bounds = array<i64: 1024, 128>}, {transform_indices = @transform_1, window_bounds = array<i64: 1024, 3>}, {pipeline_mode = #tpu.pipeline_mode<synchronous>, transform_indices = @transform_2, window_bounds = array<i64: 64, 128>}, {pipeline_mode = #tpu.pipeline_mode<synchronous>, transform_indices = @transform_3, window_bounds = array<i64: 3, 128>}, {pipeline_mode = #tpu.pipeline_mode<synchronous>, transform_indices = @transform_4, window_bounds = array<i64: 24, 128>}, {pipeline_mode = #tpu.pipeline_mode<synchronous>, transform_indices = @transform_5, window_bounds = array<i64: 1, 128>}, {pipeline_mode = #tpu.pipeline_mode<synchronous>, transform_indices = @transform_6, window_bounds = array<i64: 1, 128>}, {pipeline_mode = #tpu.pipeline_mode<synchronous>, transform_indices = @transform_7, window_bounds = array<i64: 1, 128>}, {pipeline_mode = #tpu.pipeline_mode<synchronous>, transform_indices = @transform_8, window_bounds = array<i64: 128, 128>}, {pipeline_mode = #tpu.pipeline_mode<synchronous>, transform_indices = @transform_9, window_bounds = array<i64: 1, 128>}, {pipeline_mode = #tpu.pipeline_mode<synchronous>, transform_indices = @transform_10, window_bounds = array<i64: 1, 128>}, {pipeline_mode = #tpu.pipeline_mode<synchronous>, transform_indices = @transform_11, window_bounds = array<i64: 1, 128>}, {transform_indices = @transform_12, window_bounds = array<i64: 32, 128>}]} {
    %get3A = arith.constant 0 : index
    %get3A_0 = arith.constant 0 : index
    %get3A_1 = vector.load %arg1[%get3A, %get3A_0] : memref<1024x128xf32, #tpu.memory_space<vmem>>, vector<1024x128xf32>
    %get3A_2 = arith.constant 0 : index
    %get3A_3 = arith.constant 0 : index
    %get3A_4 = vector.load %arg2[%get3A_2, %get3A_3] : memref<1024x3xf32, #tpu.memory_space<vmem>>, vector<1024x3xf32>
    %slice3A = vector.extract_strided_slice %get3A_1 {offsets = [0, 0], sizes = [1024, 3], strides = [1, 1]} : vector<1024x128xf32> to vector<1024x3xf32>
    %sub3A = arith.subf %slice3A, %get3A_4 : vector<1024x3xf32>
    %slice3A_5 = vector.extract_strided_slice %get3A_1 {offsets = [0, 3], sizes = [1024, 64], strides = [1, 1]} : vector<1024x128xf32> to vector<1024x64xf32>
    %iota3A = tpu.iota {dimensions = array<i32: 1>} : vector<1x4xi32>
    %shift_left3A = arith.constant 1 : i32
    %shift_left3A_6 = vector.broadcast %shift_left3A : i32 to vector<1x4xi32>
    %shift_left3A_7 = arith.shli %shift_left3A_6, %iota3A : vector<1x4xi32>
    %convert_element_type3A = arith.sitofp %shift_left3A_7 : vector<1x4xi32> to vector<1x4xf32>
    %mul3A = arith.constant 3.14159274 : f32
    %mul3A_8 = vector.broadcast %mul3A : f32 to vector<1x4xf32>
    %mul3A_9 = arith.mulf %convert_element_type3A, %mul3A_8 : vector<1x4xf32>
    %slice3A_10 = vector.extract_strided_slice %sub3A {offsets = [0, 0], sizes = [1024, 1], strides = [1, 1]} : vector<1024x3xf32> to vector<1024x1xf32>
    %mul3A_11 = vector.broadcast %slice3A_10 : vector<1024x1xf32> to vector<1024x4xf32>
    %mul3A_12 = vector.broadcast %mul3A_9 : vector<1x4xf32> to vector<1024x4xf32>
    %mul3A_13 = arith.mulf %mul3A_11, %mul3A_12 : vector<1024x4xf32>
    %add3A = arith.constant 1.57079637 : f32
    %add3A_14 = vector.broadcast %add3A : f32 to vector<1024x4xf32>
    %add3A_15 = arith.addf %mul3A_13, %add3A_14 : vector<1024x4xf32>
    %slice3A_16 = vector.extract_strided_slice %sub3A {offsets = [0, 1], sizes = [1024, 1], strides = [1, 1]} : vector<1024x3xf32> to vector<1024x1xf32>
    %mul3A_17 = vector.broadcast %slice3A_16 : vector<1024x1xf32> to vector<1024x4xf32>
    %mul3A_18 = vector.broadcast %mul3A_9 : vector<1x4xf32> to vector<1024x4xf32>
    %mul3A_19 = arith.mulf %mul3A_17, %mul3A_18 : vector<1024x4xf32>
    %add3A_20 = arith.constant 1.57079637 : f32
    %add3A_21 = vector.broadcast %add3A_20 : f32 to vector<1024x4xf32>
    %add3A_22 = arith.addf %mul3A_19, %add3A_21 : vector<1024x4xf32>
    %slice3A_23 = vector.extract_strided_slice %sub3A {offsets = [0, 2], sizes = [1024, 1], strides = [1, 1]} : vector<1024x3xf32> to vector<1024x1xf32>
    %mul3A_24 = vector.broadcast %slice3A_23 : vector<1024x1xf32> to vector<1024x4xf32>
    %mul3A_25 = vector.broadcast %mul3A_9 : vector<1x4xf32> to vector<1024x4xf32>
    %mul3A_26 = arith.mulf %mul3A_24, %mul3A_25 : vector<1024x4xf32>
    %add3A_27 = arith.constant 1.57079637 : f32
    %add3A_28 = vector.broadcast %add3A_27 : f32 to vector<1024x4xf32>
    %add3A_29 = arith.addf %mul3A_26, %add3A_28 : vector<1024x4xf32>
    %concatenate3A = tpu.concatenate %mul3A_13, %add3A_15, %mul3A_19, %add3A_22, %mul3A_26, %add3A_29 in 1 : vector<1024x4xf32>, vector<1024x4xf32>, vector<1024x4xf32>, vector<1024x4xf32>, vector<1024x4xf32>, vector<1024x4xf32> -> vector<1024x24xf32>
    %mul3A_30 = arith.constant 0.318309873 : f32
    %mul3A_31 = vector.broadcast %mul3A_30 : f32 to vector<1024x24xf32>
    %mul3A_32 = arith.mulf %concatenate3A, %mul3A_31 : vector<1024x24xf32>
    %add3A_33 = arith.constant 5.000000e-01 : f32
    %add3A_34 = vector.broadcast %add3A_33 : f32 to vector<1024x24xf32>
    %add3A_35 = arith.addf %mul3A_32, %add3A_34 : vector<1024x24xf32>
    %floor3A = math.floor %add3A_35 : vector<1024x24xf32>
    %mul3A_36 = arith.constant 3.140625 : f32
    %mul3A_37 = vector.broadcast %mul3A_36 : f32 to vector<1024x24xf32>
    %mul3A_38 = arith.mulf %floor3A, %mul3A_37 : vector<1024x24xf32>
    %sub3A_39 = arith.subf %concatenate3A, %mul3A_38 : vector<1024x24xf32>
    %mul3A_40 = arith.constant 9.67653584E-4 : f32
    %mul3A_41 = vector.broadcast %mul3A_40 : f32 to vector<1024x24xf32>
    %mul3A_42 = arith.mulf %floor3A, %mul3A_41 : vector<1024x24xf32>
    %sub3A_43 = arith.subf %sub3A_39, %mul3A_42 : vector<1024x24xf32>
    %mul3A_44 = arith.constant 5.000000e-01 : f32
    %mul3A_45 = vector.broadcast %mul3A_44 : f32 to vector<1024x24xf32>
    %mul3A_46 = arith.mulf %floor3A, %mul3A_45 : vector<1024x24xf32>
    %floor3A_47 = math.floor %mul3A_46 : vector<1024x24xf32>
    %mul3A_48 = arith.constant 2.000000e+00 : f32
    %mul3A_49 = vector.broadcast %mul3A_48 : f32 to vector<1024x24xf32>
    %mul3A_50 = arith.mulf %mul3A_49, %floor3A_47 : vector<1024x24xf32>
    %sub3A_51 = arith.subf %floor3A, %mul3A_50 : vector<1024x24xf32>
    %mul3A_52 = arith.constant 2.000000e+00 : f32
    %mul3A_53 = vector.broadcast %mul3A_52 : f32 to vector<1024x24xf32>
    %mul3A_54 = arith.mulf %mul3A_53, %sub3A_51 : vector<1024x24xf32>
    %sub3A_55 = arith.constant 1.000000e+00 : f32
    %sub3A_56 = vector.broadcast %sub3A_55 : f32 to vector<1024x24xf32>
    %sub3A_57 = arith.subf %sub3A_56, %mul3A_54 : vector<1024x24xf32>
    %mul3A_58 = arith.mulf %sub3A_43, %sub3A_43 : vector<1024x24xf32>
    %mul3A_59 = arith.constant 2.75573188E-6 : f32
    %mul3A_60 = vector.broadcast %mul3A_59 : f32 to vector<1024x24xf32>
    %mul3A_61 = arith.mulf %mul3A_60, %mul3A_58 : vector<1024x24xf32>
    %add3A_62 = arith.constant -1.98412701E-4 : f32
    %add3A_63 = vector.broadcast %add3A_62 : f32 to vector<1024x24xf32>
    %add3A_64 = arith.addf %mul3A_61, %add3A_63 : vector<1024x24xf32>
    %mul3A_65 = arith.mulf %add3A_64, %mul3A_58 : vector<1024x24xf32>
    %add3A_66 = arith.constant 0.00833333284 : f32
    %add3A_67 = vector.broadcast %add3A_66 : f32 to vector<1024x24xf32>
    %add3A_68 = arith.addf %mul3A_65, %add3A_67 : vector<1024x24xf32>
    %mul3A_69 = arith.mulf %add3A_68, %mul3A_58 : vector<1024x24xf32>
    %add3A_70 = arith.constant -0.166666672 : f32
    %add3A_71 = vector.broadcast %add3A_70 : f32 to vector<1024x24xf32>
    %add3A_72 = arith.addf %mul3A_69, %add3A_71 : vector<1024x24xf32>
    %mul3A_73 = arith.mulf %add3A_72, %mul3A_58 : vector<1024x24xf32>
    %mul3A_74 = arith.mulf %mul3A_73, %sub3A_43 : vector<1024x24xf32>
    %add3A_75 = arith.addf %mul3A_74, %sub3A_43 : vector<1024x24xf32>
    %mul3A_76 = arith.mulf %sub3A_57, %add3A_75 : vector<1024x24xf32>
    %get3A_77 = arith.constant 0 : index
    %get3A_78 = arith.constant 0 : index
    %get3A_79 = vector.load %arg3[%get3A_77, %get3A_78] : memref<64x128xf32, #tpu.memory_space<vmem>>, vector<64x128xf32>
    %dot_general3A = arith.constant dense<0.000000e+00> : vector<1024x128xf32>
    %dot_general3A_80 = tpu.matmul %slice3A_5, %get3A_79, %dot_general3A {dimension_numbers = #tpu.dot_dimension_numbers<[1], [0], [0], [1], [0, 0, 1, 1], [], []>, transpose_lhs_hint = false} : vector<1024x64xf32>, vector<64x128xf32>, vector<1024x128xf32> -> vector<1024x128xf32>
    %get3A_81 = arith.constant 0 : index
    %get3A_82 = arith.constant 0 : index
    %get3A_83 = vector.load %arg4[%get3A_81, %get3A_82] : memref<3x128xf32, #tpu.memory_space<vmem>>, vector<3x128xf32>
    %dot_general3A_84 = arith.constant dense<0.000000e+00> : vector<1024x128xf32>
    %dot_general3A_85 = tpu.matmul %sub3A, %get3A_83, %dot_general3A_84 {dimension_numbers = #tpu.dot_dimension_numbers<[1], [0], [0], [1], [0, 0, 1, 1], [], []>, transpose_lhs_hint = false} : vector<1024x3xf32>, vector<3x128xf32>, vector<1024x128xf32> -> vector<1024x128xf32>
    %add3A_86 = arith.addf %dot_general3A_80, %dot_general3A_85 : vector<1024x128xf32>
    %get3A_87 = arith.constant 0 : index
    %get3A_88 = arith.constant 0 : index
    %get3A_89 = vector.load %arg5[%get3A_87, %get3A_88] : memref<24x128xf32, #tpu.memory_space<vmem>>, vector<24x128xf32>
    %dot_general3A_90 = arith.constant dense<0.000000e+00> : vector<1024x128xf32>
    %dot_general3A_91 = tpu.matmul %mul3A_76, %get3A_89, %dot_general3A_90 {dimension_numbers = #tpu.dot_dimension_numbers<[1], [0], [0], [1], [0, 0, 1, 1], [], []>, transpose_lhs_hint = false} : vector<1024x24xf32>, vector<24x128xf32>, vector<1024x128xf32> -> vector<1024x128xf32>
    %add3A_92 = arith.addf %add3A_86, %dot_general3A_91 : vector<1024x128xf32>
    %get3A_93 = arith.constant 0 : index
    %get3A_94 = arith.constant 0 : index
    %get3A_95 = vector.load %arg6[%get3A_93, %get3A_94] : memref<1x128xf32, #tpu.memory_space<vmem>>, vector<1x128xf32>
    %add3A_96 = vector.broadcast %get3A_95 : vector<1x128xf32> to vector<1024x128xf32>
    %add3A_97 = arith.addf %add3A_92, %add3A_96 : vector<1024x128xf32>
    %reduce_sum3A = arith.constant dense<0.000000e+00> : vector<1024xf32>
    %reduce_sum3A_98 = vector.multi_reduction <add>, %add3A_97, %reduce_sum3A [1] : vector<1024x128xf32> to vector<1024xf32>
    %broadcast_in_dim3A = vector.shape_cast %reduce_sum3A_98 : vector<1024xf32> to vector<1024x1xf32>
    %div3A = arith.constant 1.280000e+02 : f32
    %div3A_99 = vector.broadcast %div3A : f32 to vector<1024x1xf32>
    %div3A_100 = arith.divf %broadcast_in_dim3A, %div3A_99 : vector<1024x1xf32>
    %sub3A_101 = vector.broadcast %div3A_100 : vector<1024x1xf32> to vector<1024x128xf32>
    %sub3A_102 = arith.subf %add3A_97, %sub3A_101 : vector<1024x128xf32>
    %mul3A_103 = arith.mulf %sub3A_102, %sub3A_102 : vector<1024x128xf32>
    %reduce_sum3A_104 = arith.constant dense<0.000000e+00> : vector<1024xf32>
    %reduce_sum3A_105 = vector.multi_reduction <add>, %mul3A_103, %reduce_sum3A_104 [1] : vector<1024x128xf32> to vector<1024xf32>
    %broadcast_in_dim3A_106 = vector.shape_cast %reduce_sum3A_105 : vector<1024xf32> to vector<1024x1xf32>
    %div3A_107 = arith.constant 1.280000e+02 : f32
    %div3A_108 = vector.broadcast %div3A_107 : f32 to vector<1024x1xf32>
    %div3A_109 = arith.divf %broadcast_in_dim3A_106, %div3A_108 : vector<1024x1xf32>
    %add3A_110 = arith.constant 9.99999974E-6 : f32
    %add3A_111 = vector.broadcast %add3A_110 : f32 to vector<1024x1xf32>
    %add3A_112 = arith.addf %div3A_109, %add3A_111 : vector<1024x1xf32>
    %sqrt3A = math.sqrt %add3A_112 : vector<1024x1xf32>
    %div3A_113 = vector.broadcast %sqrt3A : vector<1024x1xf32> to vector<1024x128xf32>
    %div3A_114 = arith.divf %sub3A_102, %div3A_113 : vector<1024x128xf32>
    %get3A_115 = arith.constant 0 : index
    %get3A_116 = arith.constant 0 : index
    %get3A_117 = vector.load %arg7[%get3A_115, %get3A_116] : memref<1x128xf32, #tpu.memory_space<vmem>>, vector<1x128xf32>
    %mul3A_118 = vector.broadcast %get3A_117 : vector<1x128xf32> to vector<1024x128xf32>
    %mul3A_119 = arith.mulf %div3A_114, %mul3A_118 : vector<1024x128xf32>
    %get3A_120 = arith.constant 0 : index
    %get3A_121 = arith.constant 0 : index
    %get3A_122 = vector.load %arg8[%get3A_120, %get3A_121] : memref<1x128xf32, #tpu.memory_space<vmem>>, vector<1x128xf32>
    %add3A_123 = vector.broadcast %get3A_122 : vector<1x128xf32> to vector<1024x128xf32>
    %add3A_124 = arith.addf %mul3A_119, %add3A_123 : vector<1024x128xf32>
    %mul3A_125 = arith.mulf %add3A_124, %add3A_124 : vector<1024x128xf32>
    %mul3A_126 = arith.mulf %mul3A_125, %add3A_124 : vector<1024x128xf32>
    %mul3A_127 = arith.constant 4.471500e-02 : f32
    %mul3A_128 = vector.broadcast %mul3A_127 : f32 to vector<1024x128xf32>
    %mul3A_129 = arith.mulf %mul3A_128, %mul3A_126 : vector<1024x128xf32>
    %add3A_130 = arith.addf %add3A_124, %mul3A_129 : vector<1024x128xf32>
    %mul3A_131 = arith.constant 0.797884583 : f32
    %mul3A_132 = vector.broadcast %mul3A_131 : f32 to vector<1024x128xf32>
    %mul3A_133 = arith.mulf %mul3A_132, %add3A_130 : vector<1024x128xf32>
    %abs3A = math.absf %mul3A_133 : vector<1024x128xf32>
    %mul3A_134 = arith.constant -2.000000e+00 : f32
    %mul3A_135 = vector.broadcast %mul3A_134 : f32 to vector<1024x128xf32>
    %mul3A_136 = arith.mulf %mul3A_135, %abs3A : vector<1024x128xf32>
    %exp3A = math.exp %mul3A_136 : vector<1024x128xf32>
    %sub3A_137 = arith.constant 1.000000e+00 : f32
    %sub3A_138 = vector.broadcast %sub3A_137 : f32 to vector<1024x128xf32>
    %sub3A_139 = arith.subf %sub3A_138, %exp3A : vector<1024x128xf32>
    %add3A_140 = arith.constant 1.000000e+00 : f32
    %add3A_141 = vector.broadcast %add3A_140 : f32 to vector<1024x128xf32>
    %add3A_142 = arith.addf %add3A_141, %exp3A : vector<1024x128xf32>
    %div3A_143 = arith.divf %sub3A_139, %add3A_142 : vector<1024x128xf32>
    %lt3A = arith.constant 0.000000e+00 : f32
    %lt3A_144 = vector.broadcast %lt3A : f32 to vector<1024x128xf32>
    %lt3A_145 = arith.cmpf olt, %mul3A_133, %lt3A_144 : vector<1024x128xf32>
    %neg3A = arith.constant 0.000000e+00 : f32
    %neg3A_146 = vector.broadcast %neg3A : f32 to vector<1024x128xf32>
    %neg3A_147 = arith.subf %neg3A_146, %div3A_143 : vector<1024x128xf32>
    %select_n3A = arith.select %lt3A_145, %neg3A_147, %div3A_143 : vector<1024x128xi1>, vector<1024x128xf32>
    %mul3A_148 = arith.constant 5.000000e-01 : f32
    %mul3A_149 = vector.broadcast %mul3A_148 : f32 to vector<1024x128xf32>
    %mul3A_150 = arith.mulf %mul3A_149, %add3A_124 : vector<1024x128xf32>
    %add3A_151 = arith.constant 1.000000e+00 : f32
    %add3A_152 = vector.broadcast %add3A_151 : f32 to vector<1024x128xf32>
    %add3A_153 = arith.addf %add3A_152, %select_n3A : vector<1024x128xf32>
    %mul3A_154 = arith.mulf %mul3A_150, %add3A_153 : vector<1024x128xf32>
    %get3A_155 = arith.constant 0 : index
    %get3A_156 = arith.constant 0 : index
    %get3A_157 = vector.load %arg9[%get3A_155, %get3A_156] : memref<128x128xf32, #tpu.memory_space<vmem>>, vector<128x128xf32>
    %dot_general3A_158 = arith.constant dense<0.000000e+00> : vector<1024x128xf32>
    %dot_general3A_159 = tpu.matmul %mul3A_154, %get3A_157, %dot_general3A_158 {dimension_numbers = #tpu.dot_dimension_numbers<[1], [0], [0], [1], [0, 0, 1, 1], [], []>, transpose_lhs_hint = false} : vector<1024x128xf32>, vector<128x128xf32>, vector<1024x128xf32> -> vector<1024x128xf32>
    %get3A_160 = arith.constant 0 : index
    %get3A_161 = arith.constant 0 : index
    %get3A_162 = vector.load %arg10[%get3A_160, %get3A_161] : memref<1x128xf32, #tpu.memory_space<vmem>>, vector<1x128xf32>
    %add3A_163 = vector.broadcast %get3A_162 : vector<1x128xf32> to vector<1024x128xf32>
    %add3A_164 = arith.addf %dot_general3A_159, %add3A_163 : vector<1024x128xf32>
    %reduce_sum3A_165 = arith.constant dense<0.000000e+00> : vector<1024xf32>
    %reduce_sum3A_166 = vector.multi_reduction <add>, %add3A_164, %reduce_sum3A_165 [1] : vector<1024x128xf32> to vector<1024xf32>
    %broadcast_in_dim3A_167 = vector.shape_cast %reduce_sum3A_166 : vector<1024xf32> to vector<1024x1xf32>
    %div3A_168 = arith.constant 1.280000e+02 : f32
    %div3A_169 = vector.broadcast %div3A_168 : f32 to vector<1024x1xf32>
    %div3A_170 = arith.divf %broadcast_in_dim3A_167, %div3A_169 : vector<1024x1xf32>
    %sub3A_171 = vector.broadcast %div3A_170 : vector<1024x1xf32> to vector<1024x128xf32>
    %sub3A_172 = arith.subf %add3A_164, %sub3A_171 : vector<1024x128xf32>
    %mul3A_173 = arith.mulf %sub3A_172, %sub3A_172 : vector<1024x128xf32>
    %reduce_sum3A_174 = arith.constant dense<0.000000e+00> : vector<1024xf32>
    %reduce_sum3A_175 = vector.multi_reduction <add>, %mul3A_173, %reduce_sum3A_174 [1] : vector<1024x128xf32> to vector<1024xf32>
    %broadcast_in_dim3A_176 = vector.shape_cast %reduce_sum3A_175 : vector<1024xf32> to vector<1024x1xf32>
    %div3A_177 = arith.constant 1.280000e+02 : f32
    %div3A_178 = vector.broadcast %div3A_177 : f32 to vector<1024x1xf32>
    %div3A_179 = arith.divf %broadcast_in_dim3A_176, %div3A_178 : vector<1024x1xf32>
    %add3A_180 = arith.constant 9.99999974E-6 : f32
    %add3A_181 = vector.broadcast %add3A_180 : f32 to vector<1024x1xf32>
    %add3A_182 = arith.addf %div3A_179, %add3A_181 : vector<1024x1xf32>
    %sqrt3A_183 = math.sqrt %add3A_182 : vector<1024x1xf32>
    %div3A_184 = vector.broadcast %sqrt3A_183 : vector<1024x1xf32> to vector<1024x128xf32>
    %div3A_185 = arith.divf %sub3A_172, %div3A_184 : vector<1024x128xf32>
    %get3A_186 = arith.constant 0 : index
    %get3A_187 = arith.constant 0 : index
    %get3A_188 = vector.load %arg11[%get3A_186, %get3A_187] : memref<1x128xf32, #tpu.memory_space<vmem>>, vector<1x128xf32>
    %mul3A_189 = vector.broadcast %get3A_188 : vector<1x128xf32> to vector<1024x128xf32>
    %mul3A_190 = arith.mulf %div3A_185, %mul3A_189 : vector<1024x128xf32>
    %get3A_191 = arith.constant 0 : index
    %get3A_192 = arith.constant 0 : index
    %get3A_193 = vector.load %arg12[%get3A_191, %get3A_192] : memref<1x128xf32, #tpu.memory_space<vmem>>, vector<1x128xf32>
    %add3A_194 = vector.broadcast %get3A_193 : vector<1x128xf32> to vector<1024x128xf32>
    %add3A_195 = arith.addf %mul3A_190, %add3A_194 : vector<1024x128xf32>
    %reshape3A = vector.shape_cast %add3A_195 : vector<1024x128xf32> to vector<32x32x128xf32>
    %reduce_max3A = arith.constant dense<0xFF800000> : vector<32x128xf32>
    %reduce_max3A_196 = vector.multi_reduction <maximumf>, %reshape3A, %reduce_max3A [1] : vector<32x32x128xf32> to vector<32x128xf32>
    %swap3A = arith.constant 0 : index
    %swap3A_197 = arith.constant 0 : index
    %swap3A_198 = vector.load %arg13[%swap3A, %swap3A_197] : memref<32x128xf32, #tpu.memory_space<vmem>>, vector<32x128xf32>
    tpu.vector_store %arg13[%swap3A, %swap3A_197], %reduce_max3A_196 {strides = array<i32>} : memref<32x128xf32, #tpu.memory_space<vmem>>, vector<32x128xf32>,
    return
  }
  func.func @transform_0(%arg0: i32) -> (i32, i32) {
    %c0_i32 = arith.constant 0 : i32
    %c0_i32_0 = arith.constant 0 : i32
    return %arg0, %c0_i32 : i32, i32
  }
  func.func @transform_1(%arg0: i32) -> (i32, i32) {
    %c0_i32 = arith.constant 0 : i32
    %c0_i32_0 = arith.constant 0 : i32
    return %arg0, %c0_i32 : i32, i32
  }
  func.func @transform_2(%arg0: i32) -> (i32, i32) {
    %c0_i32 = arith.constant 0 : i32
    %c0_i32_0 = arith.constant 0 : i32
    %c0_i32_1 = arith.constant 0 : i32
    return %c0_i32, %c0_i32_0 : i32, i32
  }
  func.func @transform_3(%arg0: i32) -> (i32, i32) {
    %c0_i32 = arith.constant 0 : i32
    %c0_i32_0 = arith.constant 0 : i32
    %c0_i32_1 = arith.constant 0 : i32
    return %c0_i32, %c0_i32_0 : i32, i32
  }
  func.func @transform_4(%arg0: i32) -> (i32, i32) {
    %c0_i32 = arith.constant 0 : i32
    %c0_i32_0 = arith.constant 0 : i32
    %c0_i32_1 = arith.constant 0 : i32
    return %c0_i32, %c0_i32_0 : i32, i32
  }
  func.func @transform_5(%arg0: i32) -> (i32, i32) {
    %c0_i32 = arith.constant 0 : i32
    %c0_i32_0 = arith.constant 0 : i32
    %c0_i32_1 = arith.constant 0 : i32
    return %c0_i32, %c0_i32_0 : i32, i32
  }
  func.func @transform_6(%arg0: i32) -> (i32, i32) {
    %c0_i32 = arith.constant 0 : i32
    %c0_i32_0 = arith.constant 0 : i32
    %c0_i32_1 = arith.constant 0 : i32
    return %c0_i32, %c0_i32_0 : i32, i32
  }
  func.func @transform_7(%arg0: i32) -> (i32, i32) {
    %c0_i32 = arith.constant 0 : i32
    %c0_i32_0 = arith.constant 0 : i32
    %c0_i32_1 = arith.constant 0 : i32
    return %c0_i32, %c0_i32_0 : i32, i32
  }
  func.func @transform_8(%arg0: i32) -> (i32, i32) {
    %c0_i32 = arith.constant 0 : i32
    %c0_i32_0 = arith.constant 0 : i32
    %c0_i32_1 = arith.constant 0 : i32
    return %c0_i32, %c0_i32_0 : i32, i32
  }
  func.func @transform_9(%arg0: i32) -> (i32, i32) {
    %c0_i32 = arith.constant 0 : i32
    %c0_i32_0 = arith.constant 0 : i32
    %c0_i32_1 = arith.constant 0 : i32
    return %c0_i32, %c0_i32_0 : i32, i32
  }
  func.func @transform_10(%arg0: i32) -> (i32, i32) {
    %c0_i32 = arith.constant 0 : i32
    %c0_i32_0 = arith.constant 0 : i32
    %c0_i32_1 = arith.constant 0 : i32
    return %c0_i32, %c0_i32_0 : i32, i32
  }
  func.func @transform_11(%arg0: i32) -> (i32, i32) {
    %c0_i32 = arith.constant 0 : i32
    %c0_i32_0 = arith.constant 0 : i32
    %c0_i32_1 = arith.constant 0 : i32
    return %c0_i32, %c0_i32_0 : i32, i32
  }
  func.func @transform_12(%arg0: i32) -> (i32, i32) {
    %c0_i32 = arith.constant 0 : i32
    %c0_i32_0 = arith.constant 0 : i32
    return %arg0, %c0_i32 : i32, i32
  }
}

</mosaic_0001>

<sc_bundles>
// kernel: kernel.5.cloned.1.call-start
scs
__scs_entry_jumppad:
0x0: {  	(pc) =	sbr.rel $0x88, $3  }
0x1: {  	(tag) =	ssettag $0x0;
	lr =	simm.s32 $0x1  }
0x2: {  	[smem:$0x3F96] =	sst lr;
	_ =	strace $0xD0000000  }
0x3: {  	_ = 	snop  }
0x4: {  	_ = 	snop  }
0x5: {  	_ = 	snop  }
0x6: {  	_ = 	snop  }
0x7: {  	_ = 	snop  }
__scs_overlays_trampoline_lowered:
0x8: {  	[smem:$0x3FA5] =	sst s0  }
0x9: {  	[smem:$0x3FA6] =	sst s1  }
0xa: {  	[smem:$0x3FA7] =	sst s2  }
0xb: {  	[smem:$0x3FA8] =	sst s3  }
0xc: {  	[smem:$0x3FA9] =	sst s4  }
0xd: {  	[smem:$0x3FAA] =	sst s5  }
0xe: {  	[smem:$0x3FAB] =	sst s6  }
0xf: {  	[smem:$0x3FAC] =	sst s7  }
0x10: {  	[smem:$0x3FAD] =	sst s8  }
0x11: {  	[smem:$0x3FAE] =	sst s9;
	s0 =	simm.s32 @!p0 $0x0  }
0x12: {  	s1 =	sld [smem:$0x3F94];
	s0 =	simm.s32 @p0 $0x1  }
0x13: {  	[smem:$0x3FAF] =	sst s0;
	s0 =	simm.s32 @!p1 $0x0  }
0x14: {  	s2 =	sld [smem:$0x3F93];
	s0 =	simm.s32 @p1 $0x1  }
0x15: {  	[smem:$0x3FB0] =	sst s0;
	s0 =	simm.s32 @!p2 $0x0  }
0x16: {  	s3 =	sld [smem:$0x3FDB];
	s0 =	simm.s32 @p2 $0x1  }
0x17: {  	s4 =	simm.s32 $0x1BF5;
	[smem:$0x3FB2] =	sst s0  }
0x18: {  	s0 =	sld [smem:$0x3F95];
	_ =	swait.ge [sflag:s4], $0x0  }
0x19: {  	s7 =	sld [smem:$0x3F96]  }
0x1a: {  	s8 =	sadd.s32 $0xFFFFE003, lr  }
0x1b: {  	s9 =	sadd.s32 $0xFFFFFEF7, lr;
	s5 =	simm.s32 $0xFFFFFFFF;
	p2 =	slt.u32 s8, $0xFFFFF086  }
0x1c: {  	p1 =	slt.u32 s9, $0xF7A;
	s5 =	simm.s32 @!p2 $0x0  }
0x1d: {  	s5 =	simm.s32 @p1 $0x1;
	p0 =	seq.s32 s7, s2  }
0x1e: {  	s7 =	smul.u32 @!p0 $0xF7A, s2;
	p2 =	seq.s32 @!p0 s5, $0x0  }
0x1f: {  	s9 =	smul.u32 $0xF7A, s1;
	s8 =	simm.s32 @!p0 $0x1BF5;
	p2 =	por !p2, p0  }
0x20: {  	[sflag:s8] =	ssyncset.s32 @!p0 $0xFFFFF086;
	s6 =	sadd.s32 @!p0 s3, s7;
	s7 =	simm.s32 @!p0 $0x108  }
0x21: {  	s3 =	sadd.s32 s3, s9;
	s6 =	sadd.s32 @!p0 $0x88, s6;
	s7 =	simm.s32 @p2 $0x1082  }
0x22: {  	[simem:s7], [sflag:s8] =	dma.local @!p0 [hbm:s6], $0xF7A  }
0x23: {  	s9 =	sor.u32 $0xD0000000, s2;
	s6 =	simm.s32 $0x108;
	_ =	swait.ge @!p0 [sflag:s8], $0x0  }
0x24: {  	s3 =	sadd.s32 $0x88, s3;
	s6 =	simm.s32 @!p1 $0x1082;
	[sflag:s4] =	ssyncset.s32 $0xFFFFF086  }
0x25: {  	[simem:s6], [sflag:s4] =	dma.local [hbm:s3], $0xF7A  }
0x26: {  	[smem:$0x3F96] =	sst s1;
	(tag) =	ssettag s2;
	_ =	strace s9  }
0x27: {  	s1 =	sld [smem:$0x3FA6]  }
0x28: {  	s2 =	sld [smem:$0x3FA7]  }
0x29: {  	s4 =	sld [smem:$0x3FA9]  }
0x2a: {  	p0 =	seq.s32 s5, $0x0;
	s5 =	sld [smem:$0x3FAA]  }
0x2b: {  	s6 =	sld [smem:$0x3FAB]  }
0x2c: {  	s7 =	sld [smem:$0x3FAC]  }
0x2d: {  	s3 =	simm.s32 $0x108;
	s8 =	sld [smem:$0x3FAD]  }
0x2e: {  	s3 =	simm.s32 @!p0 $0x1082;
	s9 =	sld [smem:$0x3FAE]  }
0x2f: {  	lr =	sadd.s32 s0, s3;
	s0 =	sld [smem:$0x3FA5]  }
0x30: {  	s3 =	sld [smem:$0x3FA8]  }
0x31: {  	[smem:$0x3FB1] =	sst s10  }
0x32: {  	s10 =	sld [smem:$0x3FAF];
	_ =	sdelay $0x3  }
0x33: {  	p0 =	seq.s32 s10, $0x1;
	s10 =	sld [smem:$0x3FB1];
	_ =	sdelay $0x3  }
0x34: {  	[smem:$0x3FB1] =	sst s10  }
0x35: {  	s10 =	sld [smem:$0x3FB0];
	_ =	sdelay $0x3  }
0x36: {  	p1 =	seq.s32 s10, $0x1;
	s10 =	sld [smem:$0x3FB1];
	_ =	sdelay $0x3  }
0x37: {  	[smem:$0x3FB1] =	sst s10  }
0x38: {  	s10 =	sld [smem:$0x3FB2]  }
0x39: {  	_ = 	snop;
	(pc) =	sbr.ind lr, $3  }
0x3a: {  	_ = 	snop  }
0x3b: {  	_ = 	snop  }
0x3c: {  	p2 =	seq.s32 s10, $0x1;
	s10 =	sld [smem:$0x3FB1]  }
0x3d: {  	_ =	shalt  }
0x3e: {  	_ =	shalt  }
0x3f: {  	_ =	shalt  }
0x40: {  	_ =	shalt  }
0x41: {  	_ =	shalt  }
0x42: {  	_ =	shalt  }
0x43: {  	_ =	shalt  }
0x44: {  	_ =	shalt  }
0x45: {  	_ =	shalt  }
0x46: {  	_ =	shalt  }
0x47: {  	_ =	shalt  }
0x48: {  	_ =	shalt  }
0x49: {  	_ =	shalt  }
0x4a: {  	_ =	shalt  }
0x4b: {  	_ =	shalt  }
0x4c: {  	_ =	shalt  }
0x4d: {  	_ =	shalt  }
0x4e: {  	_ =	shalt  }
0x4f: {  	_ =	shalt  }
0x50: {  	_ =	shalt  }
0x51: {  	_ =	shalt  }
0x52: {  	_ =	shalt  }
0x53: {  	_ =	shalt  }
0x54: {  	_ =	shalt  }
0x55: {  	_ =	shalt  }
0x56: {  	_ =	shalt  }
0x57: {  	_ =	shalt  }
0x58: {  	_ =	shalt  }
0x59: {  	_ =	shalt  }
0x5a: {  	_ =	shalt  }
0x5b: {  	_ =	shalt  }
0x5c: {  	_ =	shalt  }
0x5d: {  	_ =	shalt  }
0x5e: {  	_ =	shalt  }
0x5f: {  	_ =	shalt  }
0x60: {  	_ =	shalt  }
0x61: {  	_ =	shalt  }
0x62: {  	_ =	shalt  }
0x63: {  	_ =	shalt  }
0x64: {  	_ =	shalt  }
0x65: {  	_ =	shalt  }
0x66: {  	_ =	shalt  }
0x67: {  	_ =	shalt  }
0x68: {  	_ =	shalt  }
0x69: {  	_ =	shalt  }
0x6a: {  	_ =	shalt  }
0x6b: {  	_ =	shalt  }
0x6c: {  	_ =	shalt  }
0x6d: {  	_ =	shalt  }
0x6e: {  	_ =	shalt  }
0x6f: {  	_ =	shalt  }
0x70: {  	_ =	shalt  }
0x71: {  	_ =	shalt  }
0x72: {  	_ =	shalt  }
0x73: {  	_ =	shalt  }
0x74: {  	_ =	shalt  }
0x75: {  	_ =	shalt  }
0x76: {  	_ =	shalt  }
0x77: {  	_ =	shalt  }
0x78: {  	_ =	shalt  }
0x79: {  	_ =	shalt  }
0x7a: {  	_ =	shalt  }
0x7b: {  	_ =	shalt  }
0x7c: {  	_ =	shalt  }
0x7d: {  	_ =	shalt  }
0x7e: {  	_ =	shalt  }
0x7f: {  	_ =	shalt  }
0x80: {  	_ =	shalt  }
0x81: {  	_ =	shalt  }
0x82: {  	_ =	shalt  }
0x83: {  	_ =	shalt  }
0x84: {  	_ =	shalt  }
0x85: {  	_ =	shalt  }
0x86: {  	_ =	shalt  }
0x87: {  	_ =	shalt  }
.Lfunc_end0:
.L_simem_size_0:
called_computation_lowered:
.L_overlay_start_0:
0x88: {  	s2 =	sld [smem:$0x3FD9]  }
0x89: {  	s3 =	sld [smem:$0x3FFE];
	_ =	sdelay $0x1  }
0x8a: {  	s1 =	srdreg.scid  }
0x8b: {  	s0 =	sand.u32 $0x1, s1  }
0x8c: {  	s14 =	sshll.u32 s0, $0xA;
	s2 =	sadd.s32 s3, s2  }
0x8d: {  	s2 =	sadd.s32 s2, s14  }
0x8e: {  	[smem:$0x3FBD] =	sst s2  }
0x8f: {  	_ = 	snop  }
0x90: {  	s2 =	sld [smem:$0x3FD0];
	_ =	sdelay $0x2  }
0x91: {  	s15 =	simm.s32 $0xA;
	s4 =	simm.s32 $0x10  }
0x92: {  	[smem:s4], [sflag:s15] =	dma.local [hbm:s2], $0x1  }
0x93: {  	_ =	swait.eq [sflag:s15], $0x1  }
0x94: {  	[sflag:s15] =	ssyncset.done $0x0  }
0x95: {  	[sflag:s15] =	ssyncadd.s32 $0xFFFFFFFF  }
0x96: {  	s16 =	sld [smem:$0x10];
	(tm) =	ssettm $0x1  }
0x97: {  	s17 =	sld [smem:$0x3FFB];
	_ =	sdelay $0x3  }
0x98: {  	_ =	strace s17  }
0x99: {  	s3 =	sld [smem:$0x3FFC];
	_ =	sdelay $0x3  }
0x9a: {  	_ =	strace s3  }
0x9b: {  	s3 =	sld [smem:$0x3FFD];
	_ =	sdelay $0x3  }
0x9c: {  	_ =	strace s3  }
0x9d: {  	_ =	strace $0x8FFFFFFF  }
0x9e: {  	s18 =	sld [smem:$0x3FDB];
	_ =	sdelay $0x1  }
0x9f: {  	s19 =	simm.s32 $_scs_section_size  }
0xa0: {  	s5 =	simm.s32 $_size__tile_overlayer_lowered;
	s6 =	simm.s32 $_tile_overlayer_lowered  }
0xa1: {  	s22 =	simm.s32 $0x1BFF;
	s21 =	sshll.u32 s6, $0x1;
	s3 =	sadd.s32 s19, s18  }
0xa2: {  	s7 =	simm.s32 $0x0;
	s20 =	sshll.u32 s5, $0x1;
	s5 =	sadd.s32 s21, s3  }
0xa3: {  	[timem:s7], [sflag:s22] =	dma.local [hbm:s5], s20  }
0xa4: {  	_ =	swait.ge [sflag:s22], s20  }
0xa5: {  	s4 =	ssub.s32 $0x0, s20;
	[sflag:s22] =	ssyncset.done $0x0  }
0xa6: {  	[sflag:s22] =	ssyncadd.s32 s4;
	_ =	sdelay $0x1  }
0xa7: {  	s23 =	simm.s32 $0x1B8B  }
0xa8: {  	_ =	swait.ge [sflag:s23], $0x1  }
0xa9: {  	[sflag:s23] =	ssyncset.done $0x0  }
0xaa: {  	s25 =	simm.s32 $0x1B8E;
	s24 =	sld [smem:$0x3FFE];
	[sflag:s23] =	ssyncadd.s32 $0xFFFFFFFF  }
0xab: {  	s26 =	simm.s32 $execute0_lowered;
	[smem:$0x3FD2] =	sst s25  }
0xac: {  	s5 =	sshll.u32 s26, $0x1;
	_ =	strace $0x80000046;
	[dreg:$0x1] =	wrdreg $0xFFFFFFFF  }
0xad: {  	s28 =	simm.s32 $_size_execute0_lowered;
	s3 =	sadd.s32 s3, s5;
	[dreg:$0x0] =	wrdreg $0x0  }
0xae: {  	s5 =	sshll.u32 s28, $0x1;
	[dreg:$0x2] =	wrdreg s3  }
0xaf: {  	[dreg:$0x3] =	wrdreg s5  }
0xb0: {  	[dreg:$0x4] =	wrdreg $0xC0  }
0xb1: {  	_ =	task [dreg:s7], $0x5FFFF  }
0xb2: {  	[dreg:$0x1] =	wrdreg $0xFFFFFFFF  }
0xb3: {  	[dreg:$0x0] =	wrdreg $0x60  }
0xb4: {  	[dreg:$0x2] =	wrdreg s24  }
0xb5: {  	[dreg:$0x3] =	wrdreg s16  }
0xb6: {  	[dreg:$0x4] =	wrdreg $0x9  }
0xb7: {  	_ =	task.clear_ibuf [dreg:s7], $0x5FFFF;
	_ =	strace $0x90000046  }
0xb8: {  	s29 =	simm.s32 $0x9;
	_ =	strace $0x80000048  }
0xb9: {  	_ =	swait.ge [sflag:s29], $0x1  }
0xba: {  	[sflag:s29] =	ssyncadd.s32 $0xFFFFFFFF  }
0xbb: {  	_ =	strace $0x90000048  }
0xbc: {  	_ =	sfence  }
0xbd: {  	s30 =	sld [smem:$0x0];
	_ =	sdelay $0x2  }
0xbe: {  	s31 =	sshll.u32 s1, $0xD;
	s1 =	sshrl.u32 s1, $0x2  }
0xbf: {  	s3 =	sand.u32 $0x4000, s31;
	s1 =	sadd.s32 s1, s30  }
0xc0: {  	s0 =	sor.u32 s3, s0;
	s1 =	sshll.u32 s1, $0x11  }
0xc1: {  	s0 =	sor.u32 s1, s0  }
0xc2: {  	s0 =	sadd.s32 $0x8F2B, s0  }
0xc3: {  	[sflag:s0] =	ssyncadd.remote.s32 $0x1  }
0xc4: {  	_ =	sfence.sel $0xFFFF  }
0xc5: {  	[dreg:$0x0] =	wrdreg $0xFFFFFFFF;
	(pc) =	sbr.abs _section_cstart, $3  }
0xc6: {  	[dreg:$0x1] =	wrdreg $0xFFFFFFFF  }
0xc7: {  	_ =	task.clear_ibuf [dreg:s7], $0x2FFFF;
	_ =	strace $0x9FFFFFFF  }
0xc8: {  	(tm) =	ssettm $0x7FFFFFFF  }
0xc9: {  	_ =	shalt  }
tec
execute0_lowered:
.L_overlay_start_1:
0x0: {  	(tag) =	ssettag $0x1  }
0x1: {  	s4 =	rddreg [dreg:$0x0]  }
0x2: {  	s6 =	rddreg [dreg:$0x1]  }
0x3: {  	s0 =	rddreg [dreg:$0x2];
	s2 =	simm.s32 $0x0;
	s1 =	stileid.u32  }
0x4: {  	s3 =	srdreg.scid;
	[smem:$0x7FF] =	sst s2  }
0x5: {  	s5 =	sshll.u32 s1, $0x11;
	s7 =	sand.u32 $0x1, s3;
	s3 =	sadd.s32 $0x1600, s4  }
0x6: {  	s9 =	sshll.u32 s1, $0xD;
	_ =	strace $0x80000047;
	s5 =	sadd.s32 s5, s4  }
0x7: {  	s29 =	ssub.s32 $0x2, s7;
	s10 =	sshll.u32 s7, $0xC;
	s7 =	sshll.u32 s7, $0x10  }
0x8: {  	s8 =	sshrl.u32 s29, $0x1;
	s30 =	sor.u32 s10, s9;
	s5 =	sadd.s32 s7, s5  }
0x9: {  	s7 =	simm.s32 $0x2;
	s9 =	simm.s32 $0x1;
	s10 =	simm.s32 $0x0  }
0xa: {  	s4 =	ssub.s32 s29, s8;
	s31 =	sshrl.u32 s30, $0x3;
	s5 =	sadd.s32 $0x81600, s5  }
0xb: {  	s8 =	simm.s32 $0x200;
	s4 =	smax.u32 s4, $0x1;
	s6 =	sadd.s32 s31, s6  }
.LBB2_1:
0xc: {  	s11 =	sadd.s32 $0x0, s6  }
0xd: {  	[tilespmem:s2], [sflag:$0x2] =	stream.linear.gather [hbm4b:s11+s2], $0x200, $0x38;
	[tilespmem:$0x10200] =	vst v63  }
0xe: {  	_ =	swait.ge [sflag:s7], $0x200  }
0xf: {  	[sflag:s7] =	ssyncset.done $0x0  }
0x10: {  	[sflag:s7] =	ssyncadd.s32 $0xFFFFFE00  }
0x11: {  	[tilespmem:s8], [sflag:$0x1] =	stream.indirect.gather [hbm4b:s3+s8], $0x80, s2, s8, $0xb8;
	[tilespmem:$0x10200] =	vst v63  }
0x12: {  	_ =	swait.ge [sflag:s9], $0x10000  }
0x13: {  	[sflag:s9] =	ssyncset.done $0x0  }
0x14: {  	[sflag:s9] =	ssyncadd.s32 $0xFFFF0000  }
0x15: {  	[hbm4b:s5+s2] =	stream.linear.scatter [tilespmem:s8], [sflag:$0x2], $0x10000, $0x38;
	[tilespmem:$0x10200] =	vst v63  }
0x16: {  	s12 =	simm.s32 $0x40;
	_ =	swait.ge [sflag:s7], $0x10000  }
0x17: {  	s13 =	simm.s32 $0x80;
	s11 =	sadd.s32 $0x2000, s5;
	[sflag:s7] =	ssyncset.done $0x0  }
.LBB2_2:
0x18: {  	s14 =	sadd.s32 s12, s6  }
0x19: {  	[sflag:s7] =	ssyncadd.s32 $0xFFFF0000;
	s12 =	smov.u32 s13;
	s15 =	sadd.s32 $0x40, s13  }
0x1a: {  	[tilespmem:s2], [sflag:$0x2] =	stream.linear.gather [hbm4b:s14+s2], $0x200, $0x38;
	[tilespmem:$0x10200] =	vst v63  }
0x1b: {  	p0 =	sne.s32 s13, $0x1C0;
	_ =	swait.ge [sflag:s7], $0x200  }
0x1c: {  	[sflag:s7] =	ssyncset.done $0x0  }
0x1d: {  	[sflag:s7] =	ssyncadd.s32 $0xFFFFFE00  }
0x1e: {  	[tilespmem:s8], [sflag:$0x1] =	stream.indirect.gather [hbm4b:s3+s8], $0x80, s2, s8, $0xb8;
	[tilespmem:$0x10200] =	vst v63  }
0x1f: {  	_ =	swait.ge [sflag:s9], $0x10000  }
.Ltmp0:
0x20: {  	[sflag:s9] =	ssyncset.done $0x0;
	(pc) =	sbr.rel @p0 .LBB2_2-.Ltmp0, $4  }
0x21: {  	[sflag:s9] =	ssyncadd.s32 $0xFFFF0000  }
0x22: {  	[hbm4b:s11+s2] =	stream.linear.scatter [tilespmem:s8], [sflag:$0x2], $0x10000, $0x38;
	[tilespmem:$0x10200] =	vst v63  }
0x23: {  	_ =	swait.ge [sflag:s7], $0x10000  }
0x24: {  	s13 =	smov.u32 s15;
	s11 =	sadd.s32 $0x2000, s11;
	[sflag:s7] =	ssyncset.done $0x0  }
0x25: {  	s12 =	sadd.s32 s12, s6;
	[sflag:s7] =	ssyncadd.s32 $0xFFFF0000  }
0x26: {  	[tilespmem:s2], [sflag:$0x2] =	stream.linear.gather [hbm4b:s12+s2], $0x200, $0x38;
	[tilespmem:$0x10200] =	vst v63  }
0x27: {  	_ =	swait.ge [sflag:s7], $0x200  }
0x28: {  	[sflag:s7] =	ssyncset.done $0x0  }
0x29: {  	[sflag:s7] =	ssyncadd.s32 $0xFFFFFE00  }
0x2a: {  	[tilespmem:s8], [sflag:$0x1] =	stream.indirect.gather [hbm4b:s3+s8], $0x80, s2, s8, $0xb8;
	[tilespmem:$0x10200] =	vst v63  }
0x2b: {  	s10 =	sadd.s32 $0x1, s10;
	_ =	swait.ge [sflag:s9], $0x10000  }
0x2c: {  	p0 =	sne.s32 s10, s4;
	[sflag:s9] =	ssyncset.done $0x0  }
.Ltmp1:
0x2d: {  	[sflag:s9] =	ssyncadd.s32 $0xFFFF0000;
	(pc) =	sbr.rel @p0 .LBB2_1-.Ltmp1, $4  }
0x2e: {  	[hbm4b:s11+s2] =	stream.linear.scatter [tilespmem:s8], [sflag:$0x2], $0x10000, $0x38;
	[tilespmem:$0x10200] =	vst v63  }
0x2f: {  	_ =	swait.ge [sflag:s7], $0x10000  }
0x30: {  	[sflag:s7] =	ssyncset.done $0x0  }
0x31: {  	[sflag:s7] =	ssyncadd.s32 $0xFFFF0000  }
0x32: {  	_ =	sfence.sel $0x180000  }
0x33: {  	[bflag:$0x0] =	sbarrier.arrive $0xFFFF  }
0x34: {  	p0 =	sne.s32 s1, $0x0;
	_ =	strace $0x90000047  }
0x35: {  	s0 =	sadd.s32 @!p0 $0x100000, s0;
	[bflag:$0x2] =	sbarrier.arrive $0xFFFF  }
0x36: {  	[sflag:s0] =	ssyncadd.tile.s32 @!p0 $0x1;
	_ =	shalt  }
.Lfunc_end2:
_tile_overlayer_lowered:
.L_overlay_start_2:
0x37: {  	(tag) =	ssettag $0x2  }
0x38: {  	s0 =	rddreg [dreg:$0x0];
	s2 =	stileid.u32  }
0x39: {  	s1 =	rddreg [dreg:$0x1];
	p0 =	sne.s32 s2, $0x0  }
0x3a: {  	s3 =	rddreg [dreg:$0x2];
	[bflag:$0x3] =	sbarrier.arrive $0xFFFF;
	s2 =	simm.s32 @!p0 $0x1C02  }
0x3b: {  	[timem:s3], [sflag:s2] =	dma.local @!p0 [hbm:s0], s1  }
0x3c: {  	s0 =	simm.s32 @!p0 $0x2  }
0x3d: {  	_ =	swait.ge @!p0 [sflag:s0], s1  }
0x3e: {  	s1 =	ssub.s32 @!p0 $0x0, s1;
	[sflag:s0] =	ssyncset.done @!p0 $0x0  }
0x3f: {  	[sflag:s0] =	ssyncadd.s32 @!p0 s1  }
0x40: {  	[bflag:$0x3] =	sbarrier.arrive $0xFFFF  }
0x41: {  	_ =	shalt  }

</sc_bundles>
